<compile_context>
chip_gen: v7x
topology: tpu7x:2x2x1
jax: 0.10.2.dev20260603
libtpu: 0.0.44.dev20260713+nightly
codegen_flags: <defaults>
</compile_context>

<pallas_src>
import functools

import jax
import jax.numpy as jnp
from jax import lax
from jax.experimental import pallas as pl
from jax.experimental.pallas import tpu as pltpu
from jax.experimental.pallas import tpu_sc as plsc

N = 10000
E = 320000
DI = 128
H = 64
NG = 64
ND = 3

NC = 2
NS = 16
NW = NC * NS

C = 80
CPW = E // C // NW
EPW = E // NW
ZCH = 640
ZLAST = N - ZCH * (NS - 1)

_f32 = jnp.float32

_SC_PARAMS = pltpu.CompilerParams(use_tc_tiling_on_sc=False)


def _mesh():
    return plsc.VectorSubcoreMesh(
        core_axis_name="c", subcore_axis_name="s",
        num_cores=NC, num_subcores=NS,
    )


@functools.partial(
    pl.kernel,
    out_type=jax.ShapeDtypeStruct((NC, N, H), _f32),
    mesh=_mesh(),
    compiler_params=_SC_PARAMS,
    scratch_types=[
        pltpu.VMEM((CPW, C), jnp.int32),
        pltpu.VMEM((CPW, C), jnp.int32),
        pltpu.VMEM((C, H), _f32),
        pltpu.VMEM_SHARED((N, H), _f32),
        pltpu.SemaphoreType.DMA,
    ],
)
def _segsum_sc(table_h, src_h, dst_h, zeros_h, out_h, src_v, dst_v, rows_v,
               acc_sh, gsem):
    c = lax.axis_index("c")
    s = lax.axis_index("s")
    wid = s * NC + c
    pltpu.sync_copy(src_h.at[wid], src_v)
    pltpu.sync_copy(dst_h.at[wid], dst_v)
    z0 = s * ZCH
    zn = jnp.where(s == NS - 1, ZLAST, ZCH)
    pltpu.sync_copy(zeros_h.at[pl.ds(0, zn)], acc_sh.at[pl.ds(z0, zn)])
    plsc.subcore_barrier()

    @pl.loop(0, CPW)
    def _(j):
        pltpu.async_copy(table_h.at[src_v.at[j]], rows_v, gsem).wait()
        pltpu.sync_copy(rows_v, acc_sh.at[dst_v.at[j]], add=True)

    plsc.subcore_barrier()
    pltpu.sync_copy(acc_sh.at[pl.ds(z0, zn)], out_h.at[c, pl.ds(z0, zn)])


@functools.partial(
    pl.kernel,
    out_type=(
        jax.ShapeDtypeStruct((E, H), _f32),
        jax.ShapeDtypeStruct((E, H), _f32),
    ),
    mesh=_mesh(),
    compiler_params=_SC_PARAMS,
    scratch_types=[
        pltpu.VMEM((CPW, C), jnp.int32),
        pltpu.VMEM((CPW, C), jnp.int32),
        pltpu.VMEM((C, H), _f32),
        pltpu.VMEM((C, H), _f32),
        pltpu.SemaphoreType.DMA,
        pltpu.SemaphoreType.DMA,
    ],
)
def _pair_gather_sc(table_h, src_h, dst_h, souts_h, doutd_h, src_v, dst_v,
                    sbuf, dbuf, sem1, sem2):
    c = lax.axis_index("c")
    s = lax.axis_index("s")
    wid = s * NC + c
    e0 = wid * EPW
    pltpu.sync_copy(src_h.at[wid], src_v)
    pltpu.sync_copy(dst_h.at[wid], dst_v)

    @pl.loop(0, CPW)
    def _(j):
        cp1 = pltpu.async_copy(table_h.at[src_v.at[j]], sbuf, sem1)
        cp2 = pltpu.async_copy(table_h.at[dst_v.at[j]], dbuf, sem2)
        cp1.wait()
        pltpu.sync_copy(sbuf, souts_h.at[pl.ds(e0 + j * C, C)])
        cp2.wait()
        pltpu.sync_copy(dbuf, doutd_h.at[pl.ds(e0 + j * C, C)])


@functools.partial(
    pl.kernel,
    out_type=jax.ShapeDtypeStruct((NC, N), _f32),
    mesh=_mesh(),
    compiler_params=_SC_PARAMS,
    scratch_types=[
        pltpu.VMEM((CPW, C), jnp.int32),
        pltpu.VMEM((CPW, C), jnp.int32),
        pltpu.VMEM((CPW, C), _f32),
        pltpu.VMEM_SHARED((N,), _f32),
    ],
)
def _scatter_w_sc(es_h, src_h, dst_h, zeros_h, out_h, src_v, dst_v, es_v,
                  w_sh):
    c = lax.axis_index("c")
    s = lax.axis_index("s")
    wid = s * NC + c
    pltpu.sync_copy(src_h.at[wid], src_v)
    pltpu.sync_copy(dst_h.at[wid], dst_v)
    pltpu.sync_copy(es_h.at[wid], es_v)

    @pl.when(s == 0)
    def _():
        pltpu.sync_copy(zeros_h, w_sh)

    plsc.subcore_barrier()

    @pl.loop(0, CPW)
    def _(j):
        pltpu.sync_copy(es_v.at[j], w_sh.at[src_v.at[j]], add=True)
        pltpu.sync_copy(es_v.at[j], w_sh.at[dst_v.at[j]], add=True)

    plsc.subcore_barrier()

    @pl.when(s == 0)
    def _():
        pltpu.sync_copy(w_sh, out_h.at[c])


NB = 1000


def _dot(a, b):
    return jnp.dot(a, b, preferred_element_type=_f32)


def _mm_body(x_ref, w_ref, o_ref):
    o_ref[...] = _dot(x_ref[...], w_ref[...])


def _proj(x, W):
    K = x.shape[1]
    return pl.pallas_call(
        _mm_body,
        grid=(N // NB,),
        in_specs=[
            pl.BlockSpec((NB, K), lambda i: (i, 0)),
            pl.BlockSpec((K, H), lambda i: (0, 0)),
        ],
        out_specs=pl.BlockSpec((NB, H), lambda i: (i, 0)),
        out_shape=jax.ShapeDtypeStruct((N, H), _f32),
    )(x, W)


def _gin_tail_body(y_ref, a0_ref, a1_ref, ba_ref, wb_ref, bb_ref, o_ref):
    z = y_ref[...] + a0_ref[...] + a1_ref[...] + ba_ref[...]
    t = _dot(jnp.maximum(z, 0.0), wb_ref[...]) + bb_ref[...]
    o_ref[...] = jnp.maximum(t, 0.0)


def _gin_fused_body(y_ref, a0_ref, a1_ref, ba_ref, wb_ref, bb_ref, wn_ref,
                    o_ref):
    z = y_ref[...] + a0_ref[...] + a1_ref[...] + ba_ref[...]
    t = _dot(jnp.maximum(z, 0.0), wb_ref[...]) + bb_ref[...]
    o_ref[...] = _dot(jnp.maximum(t, 0.0), wn_ref[...])


def _gin_stage(y, a, ba, Wb, bb, Wn):
    base_specs = [
        pl.BlockSpec((NB, H), lambda i: (i, 0)),
        pl.BlockSpec((NB, H), lambda i: (i, 0)),
        pl.BlockSpec((NB, H), lambda i: (i, 0)),
        pl.BlockSpec((1, H), lambda i: (0, 0)),
        pl.BlockSpec((H, H), lambda i: (0, 0)),
        pl.BlockSpec((1, H), lambda i: (0, 0)),
    ]
    args = [y, a[0], a[1], ba.reshape(1, H), Wb, bb.reshape(1, H)]
    if Wn is None:
        body = _gin_tail_body
        specs = base_specs
    else:
        body = _gin_fused_body
        specs = base_specs + [pl.BlockSpec((H, H), lambda i: (0, 0))]
        args = args + [Wn]
    return pl.pallas_call(
        body,
        grid=(N // NB,),
        in_specs=specs,
        out_specs=pl.BlockSpec((NB, H), lambda i: (i, 0)),
        out_shape=jax.ShapeDtypeStruct((N, H), _f32),
    )(*args)


EB = 512


def _edge_head_body(s_ref, d_ref, wa_ref, wb_ref, wc_ref, be1_ref, we2_ref,
                    be2_ref, o_ref):
    sv = s_ref[...]
    dv = d_ref[...]
    u = (_dot(sv, wa_ref[...]) + _dot(dv, wb_ref[...])
         + _dot(jnp.abs(sv - dv), wc_ref[...]) + be1_ref[...])
    v = _dot(jnp.maximum(u, 0.0), we2_ref[...]) + be2_ref[...]
    es = 1.0 / (1.0 + jnp.exp(-v))
    o_ref[...] = jnp.reshape(es, (EB,))


def _edge_head(sg, dg, We1, be1, We2, be2):
    wa = We1[0:H]
    wb = We1[H:2 * H]
    wc = We1[2 * H:3 * H]
    return pl.pallas_call(
        _edge_head_body,
        grid=(E // EB,),
        in_specs=[
            pl.BlockSpec((EB, H), lambda i: (i, 0)),
            pl.BlockSpec((EB, H), lambda i: (i, 0)),
            pl.BlockSpec((H, H), lambda i: (0, 0)),
            pl.BlockSpec((H, H), lambda i: (0, 0)),
            pl.BlockSpec((H, H), lambda i: (0, 0)),
            pl.BlockSpec((1, H), lambda i: (0, 0)),
            pl.BlockSpec((H, 1), lambda i: (0, 0)),
            pl.BlockSpec((1, 1), lambda i: (0, 0)),
        ],
        out_specs=pl.BlockSpec((EB,), lambda i: (i,)),
        out_shape=jax.ShapeDtypeStruct((E,), _f32),
    )(sg, dg, wa, wb, wc, be1.reshape(1, H), We2, be2.reshape(1, 1))


def _pool_body(h_ref, w0_ref, w1_ref, batch_ref, wd_ref, bd_ref, ge_ref,
               lg_ref, pooled_acc, norm_acc):
    i = pl.program_id(0)

    @pl.when(i == 0)
    def _():
        pooled_acc[...] = jnp.zeros_like(pooled_acc)
        norm_acc[...] = jnp.zeros_like(norm_acc)

    wn = w0_ref[...] + w1_ref[...] + 1e-6
    bi = batch_ref[0]
    gids = lax.broadcasted_iota(jnp.int32, (NG, NB), 0)
    onehot = (gids == bi).astype(_f32)
    hw = h_ref[...] * wn
    pooled_acc[...] += _dot(onehot, hw)
    norm_acc[...] += _dot(onehot, wn)

    @pl.when(i == pl.num_programs(0) - 1)
    def _():
        norm = jnp.maximum(norm_acc[...], 1e-6)
        ge = pooled_acc[...] / norm
        ge_ref[...] = ge
        lg_ref[...] = _dot(ge, wd_ref[...]) + bd_ref[...]


def _pool(h, w0, w1, batch3, Wd, bd):
    return pl.pallas_call(
        _pool_body,
        grid=(N // NB,),
        in_specs=[
            pl.BlockSpec((NB, H), lambda i: (i, 0)),
            pl.BlockSpec((NB, 1), lambda i: (i, 0)),
            pl.BlockSpec((NB, 1), lambda i: (i, 0)),
            pl.BlockSpec((1, 1, NB), lambda i: (i, 0, 0)),
            pl.BlockSpec((H, ND), lambda i: (0, 0)),
            pl.BlockSpec((1, ND), lambda i: (0, 0)),
        ],
        out_specs=(
            pl.BlockSpec((NG, H), lambda i: (0, 0)),
            pl.BlockSpec((NG, ND), lambda i: (0, 0)),
        ),
        out_shape=(
            jax.ShapeDtypeStruct((NG, H), _f32),
            jax.ShapeDtypeStruct((NG, ND), _f32),
        ),
        scratch_shapes=[
            pltpu.VMEM((NG, H), _f32),
            pltpu.VMEM((NG, 1), _f32),
        ],
    )(h, w0, w1, batch3, Wd, bd)


def kernel(x, edge_index, batch, W1, b1, W2, b2, W3, b3, W4, b4, We1, be1,
           We2, be2, Wd, bd):
    src3 = edge_index[0].reshape(NW, CPW, C)
    dst3 = edge_index[1].reshape(NW, CPW, C)
    zeros_h = jnp.zeros((ZCH, H), _f32)
    zeros_w = jnp.zeros((N,), _f32)

    y1 = _proj(x, W1)
    a1 = _segsum_sc(y1, src3, dst3, zeros_h)
    y2 = _gin_stage(y1, a1, b1, W2, b2, W3)
    a2 = _segsum_sc(y2, src3, dst3, zeros_h)
    h = _gin_stage(y2, a2, b3, W4, b4, None)

    sg, dg = _pair_gather_sc(h, src3, dst3)
    edge_scores = _edge_head(sg, dg, We1, be1, We2, be2)

    es3 = edge_scores.reshape(NW, CPW, C)
    wparts = _scatter_w_sc(es3, src3, dst3, zeros_w)
    w0 = wparts[0].reshape(N, 1)
    w1 = wparts[1].reshape(N, 1)

    ge, logits = _pool(h, w0, w1, batch.reshape(N // NB, 1, NB), Wd,
                       bd.reshape(1, ND))
    return edge_scores, logits, h, ge

# --- scband reference (transcript-rebuilt; emitter-appended) ---
"""Pipeline reference for scband-irmedge-critic-39539468926979 (READ-ONLY COPY).

The authoritative reference and input builder live on the scoring server;
editing this copy changes nothing except your own understanding.
"""

import jax, jax.numpy as jnp
import numpy as np

N = 10000
E = 320000
D_IN = 128
H = 64
EH = 64
ND = 3
B = 64


def setup_inputs(seed: int = 0) -> dict:
    key = jax.random.key(seed)
    ks = jax.random.split(key, 20)
    x = jax.random.normal(ks[0], (N, D_IN), dtype=jnp.float32)
    edge_index = jax.random.randint(ks[1], (2, E), 0, N, dtype=jnp.int32)
    batch = jnp.sort(jax.random.randint(ks[2], (N,), 0, B, dtype=jnp.int32))
    s = 0.05
    params = dict(
        W1=jax.random.normal(ks[3], (D_IN, H), dtype=jnp.float32) * s,
        b1=jnp.zeros((H,), jnp.float32),
        W2=jax.random.normal(ks[4], (H, H), dtype=jnp.float32) * s,
        b2=jnp.zeros((H,), jnp.float32),
        W3=jax.random.normal(ks[5], (H, H), dtype=jnp.float32) * s,
        b3=jnp.zeros((H,), jnp.float32),
        W4=jax.random.normal(ks[6], (H, H), dtype=jnp.float32) * s,
        b4=jnp.zeros((H,), jnp.float32),
        We1=jax.random.normal(ks[7], (3 * H, EH), dtype=jnp.float32) * s,
        be1=jnp.zeros((EH,), jnp.float32),
        We2=jax.random.normal(ks[8], (EH, 1), dtype=jnp.float32) * s,
        be2=jnp.zeros((1,), jnp.float32),
        Wd=jax.random.normal(ks[9], (H, ND), dtype=jnp.float32) * s,
        bd=jnp.zeros((ND,), jnp.float32),
    )
    return dict(x=x, edge_index=edge_index, batch=batch, **params)


def reference(x, edge_index, batch, W1, b1, W2, b2, W3, b3, W4, b4, We1, be1, We2, be2, Wd, bd):
    src = edge_index[0]
    dst = edge_index[1]

    def gin(h, Wa, ba, Wb, bb):
        # GINConv with eps=0: mlp((1+0)*x + sum_{j in N(i)} x_j)
        agg = jax.ops.segment_sum(h[src], dst, num_segments=N)
        z = h + agg
        return jax.nn.relu(z @ Wa + ba) @ Wb + bb

    # encode_nodes (dropout is identity in eval mode)
    h = jax.nn.relu(gin(x, W1, b1, W2, b2))
    h = jax.nn.relu(gin(h, W3, b3, W4, b4))

    # EdgeScoringHead
    src_h = h[src]
    dst_h = h[dst]
    pair = jnp.concatenate([src_h, dst_h, jnp.abs(src_h - dst_h)], axis=-1)
    edge_scores = jax.nn.sigmoid(jax.nn.relu(pair @ We1 + be1) @ We2 + be2)[:, 0]

    # node weights via scatter-add on both endpoints
    w = jnp.zeros((N,), x.dtype).at[src].add(edge_scores).at[dst].add(edge_scores) + 1e-06

    # weighted graph pooling
    pooled = jax.ops.segment_sum(h * w[:, None], batch, num_segments=B)
    norm = jnp.clip(jax.ops.segment_sum(w, batch, num_segments=B), 1e-06, None)[:, None]
    graph_embeddings = pooled / norm

    domain_logits = graph_embeddings @ Wd + bd
    return edge_scores, domain_logits, h, graph_embeddings

if __name__ == "__main__":
    import jax
    _d = setup_inputs()
    print(jax.jit(kernel)(*tuple(_d.values())))

</pallas_src>

<mosaic_0001>
#map = affine_map<(d0, d1) -> (0, 0)>
#map1 = affine_map<(d0, d1) -> (0, 0, 0)>
module attributes {stable_mosaic.version = 14 : i64} {
  func.func @_segsum_sc(%arg0: i32, %arg1: i32, %arg2: memref<10000x64xf32, #tpu.memory_space<hbm>>, %arg3: memref<32x125x80xi32, #tpu.memory_space<hbm>>, %arg4: memref<32x125x80xi32, #tpu.memory_space<hbm>>, %arg5: memref<640x64xf32, #tpu.memory_space<hbm>>, %arg6: memref<2x10000x64xf32, #tpu.memory_space<hbm>>, %arg7: memref<125x80xi32, #tpu.memory_space<vmem>>, %arg8: memref<125x80xi32, #tpu.memory_space<vmem>>, %arg9: memref<80x64xf32, #tpu.memory_space<vmem>>, %arg10: memref<10000x64xf32, #tpu.memory_space<vmem_shared>>, %arg11: memref<!tpu.dma_semaphore, #tpu.memory_space<semaphore_mem>>) attributes {dimension_semantics = [#tpu.dimension_semantics<core_parallel>, #tpu.dimension_semantics<subcore_parallel>], iteration_bounds = array<i64: 2, 16>, scalar_prefetch = 0 : i64, scratch_operands = 5 : i64, tpu.core_type = #tpu.core_type<sc_vector_subcore>, window_params = [{transform_indices = #map}, {transform_indices = #map1}, {transform_indices = #map1}, {transform_indices = #map}, {transform_indices = #map1}]} {
    %mul3A = arith.constant 2 : i32
    %mul3A_0 = arith.muli %arg1, %mul3A : i32
    %add3A = arith.addi %mul3A_0, %arg0 : i32
    "tpu.region"() ({
      %run_scoped3A = tpu.sem_alloc : memref<!tpu.dma_semaphore, #tpu.memory_space<semaphore_mem>>
      %dma_start3A = arith.constant 0 : i32
      %dma_start3A_10 = arith.constant 0 : i32
      %dma_start3A_11 = tpu.memref_slice %arg3[%add3A, %dma_start3A, %dma_start3A_10] : memref<32x125x80xi32, #tpu.memory_space<hbm>> -> memref<1x125x80xi32, #tpu.memory_space<hbm>>
      %dma_start3A_12 = tpu.memref_squeeze %dma_start3A_11 : memref<1x125x80xi32, #tpu.memory_space<hbm>> -> memref<125x80xi32, #tpu.memory_space<hbm>>
      %dma_start3A_13 = arith.constant 0 : i32
      %dma_start3A_14 = arith.constant 0 : i32
      %dma_start3A_15 = tpu.memref_slice %arg3[%add3A, %dma_start3A_13, %dma_start3A_14] : memref<32x125x80xi32, #tpu.memory_space<hbm>> -> memref<1x125x80xi32, #tpu.memory_space<hbm>>
      %dma_start3A_16 = tpu.memref_squeeze %dma_start3A_15 : memref<1x125x80xi32, #tpu.memory_space<hbm>> -> memref<125x80xi32, #tpu.memory_space<hbm>>
      tpu.enqueue_dma source(%dma_start3A_16 : memref<125x80xi32, #tpu.memory_space<hbm>>) target(%arg7 : memref<125x80xi32, #tpu.memory_space<vmem>>) target_semaphore(%run_scoped3A : memref<!tpu.dma_semaphore, #tpu.memory_space<semaphore_mem>>)
      %dma_wait3A = arith.constant 0 : i32
      %dma_wait3A_17 = arith.constant 0 : i32
      %dma_wait3A_18 = tpu.memref_slice %arg3[%add3A, %dma_wait3A, %dma_wait3A_17] : memref<32x125x80xi32, #tpu.memory_space<hbm>> -> memref<1x125x80xi32, #tpu.memory_space<hbm>>
      %dma_wait3A_19 = tpu.memref_squeeze %dma_wait3A_18 : memref<1x125x80xi32, #tpu.memory_space<hbm>> -> memref<125x80xi32, #tpu.memory_space<hbm>>
      %dma_wait3A_20 = arith.constant 0 : i32
      %dma_wait3A_21 = arith.constant 0 : i32
      %dma_wait3A_22 = tpu.memref_slice %arg3[%add3A, %dma_wait3A_20, %dma_wait3A_21] : memref<32x125x80xi32, #tpu.memory_space<hbm>> -> memref<1x125x80xi32, #tpu.memory_space<hbm>>
      %dma_wait3A_23 = tpu.memref_squeeze %dma_wait3A_22 : memref<1x125x80xi32, #tpu.memory_space<hbm>> -> memref<125x80xi32, #tpu.memory_space<hbm>>
      tpu.wait_dma2 semaphore(%run_scoped3A : memref<!tpu.dma_semaphore, #tpu.memory_space<semaphore_mem>>) src(%dma_wait3A_23 : memref<125x80xi32, #tpu.memory_space<hbm>>) dst(%arg7 : memref<125x80xi32, #tpu.memory_space<vmem>>)
      tpu.yield
    }) : () -> ()
    "tpu.region"() ({
      %run_scoped3A = tpu.sem_alloc : memref<!tpu.dma_semaphore, #tpu.memory_space<semaphore_mem>>
      %dma_start3A = arith.constant 0 : i32
      %dma_start3A_10 = arith.constant 0 : i32
      %dma_start3A_11 = tpu.memref_slice %arg4[%add3A, %dma_start3A, %dma_start3A_10] : memref<32x125x80xi32, #tpu.memory_space<hbm>> -> memref<1x125x80xi32, #tpu.memory_space<hbm>>
      %dma_start3A_12 = tpu.memref_squeeze %dma_start3A_11 : memref<1x125x80xi32, #tpu.memory_space<hbm>> -> memref<125x80xi32, #tpu.memory_space<hbm>>
      %dma_start3A_13 = arith.constant 0 : i32
      %dma_start3A_14 = arith.constant 0 : i32
      %dma_start3A_15 = tpu.memref_slice %arg4[%add3A, %dma_start3A_13, %dma_start3A_14] : memref<32x125x80xi32, #tpu.memory_space<hbm>> -> memref<1x125x80xi32, #tpu.memory_space<hbm>>
      %dma_start3A_16 = tpu.memref_squeeze %dma_start3A_15 : memref<1x125x80xi32, #tpu.memory_space<hbm>> -> memref<125x80xi32, #tpu.memory_space<hbm>>
      tpu.enqueue_dma source(%dma_start3A_16 : memref<125x80xi32, #tpu.memory_space<hbm>>) target(%arg8 : memref<125x80xi32, #tpu.memory_space<vmem>>) target_semaphore(%run_scoped3A : memref<!tpu.dma_semaphore, #tpu.memory_space<semaphore_mem>>)
      %dma_wait3A = arith.constant 0 : i32
      %dma_wait3A_17 = arith.constant 0 : i32
      %dma_wait3A_18 = tpu.memref_slice %arg4[%add3A, %dma_wait3A, %dma_wait3A_17] : memref<32x125x80xi32, #tpu.memory_space<hbm>> -> memref<1x125x80xi32, #tpu.memory_space<hbm>>
      %dma_wait3A_19 = tpu.memref_squeeze %dma_wait3A_18 : memref<1x125x80xi32, #tpu.memory_space<hbm>> -> memref<125x80xi32, #tpu.memory_space<hbm>>
      %dma_wait3A_20 = arith.constant 0 : i32
      %dma_wait3A_21 = arith.constant 0 : i32
      %dma_wait3A_22 = tpu.memref_slice %arg4[%add3A, %dma_wait3A_20, %dma_wait3A_21] : memref<32x125x80xi32, #tpu.memory_space<hbm>> -> memref<1x125x80xi32, #tpu.memory_space<hbm>>
      %dma_wait3A_23 = tpu.memref_squeeze %dma_wait3A_22 : memref<1x125x80xi32, #tpu.memory_space<hbm>> -> memref<125x80xi32, #tpu.memory_space<hbm>>
      tpu.wait_dma2 semaphore(%run_scoped3A : memref<!tpu.dma_semaphore, #tpu.memory_space<semaphore_mem>>) src(%dma_wait3A_23 : memref<125x80xi32, #tpu.memory_space<hbm>>) dst(%arg8 : memref<125x80xi32, #tpu.memory_space<vmem>>)
      tpu.yield
    }) : () -> ()
    %mul3A_1 = arith.constant 640 : i32
    %mul3A_2 = arith.muli %arg1, %mul3A_1 : i32
    %eq3A = arith.constant 15 : i32
    %eq3A_3 = arith.cmpi eq, %arg1, %eq3A : i32
    %jit3A = arith.constant 400 : i32
    %jit3A_4 = arith.constant 640 : i32
    %select_n3A = arith.select %eq3A_3, %jit3A, %jit3A_4 : i32
    "tpu.region"() ({
      %run_scoped3A = tpu.sem_alloc : memref<!tpu.dma_semaphore, #tpu.memory_space<semaphore_mem>>
      %dma_start3A = arith.constant 0 : i32
      %dma_start3A_10 = tpu.memref_slice %arg10[%mul3A_2, %dma_start3A] <%select_n3A> : memref<10000x64xf32, #tpu.memory_space<vmem_shared>> -> memref<?x64xf32, #tpu.memory_space<vmem_shared>>
      %dma_start3A_11 = arith.constant 0 : i32
      %dma_start3A_12 = arith.constant 0 : i32
      %dma_start3A_13 = tpu.memref_slice %arg5[%dma_start3A_11, %dma_start3A_12] <%select_n3A> : memref<640x64xf32, #tpu.memory_space<hbm>> -> memref<?x64xf32, #tpu.memory_space<hbm>>
      tpu.enqueue_dma source(%dma_start3A_13 : memref<?x64xf32, #tpu.memory_space<hbm>>) target(%dma_start3A_10 : memref<?x64xf32, #tpu.memory_space<vmem_shared>>) target_semaphore(%run_scoped3A : memref<!tpu.dma_semaphore, #tpu.memory_space<semaphore_mem>>)
      %dma_wait3A = arith.constant 0 : i32
      %dma_wait3A_14 = tpu.memref_slice %arg10[%mul3A_2, %dma_wait3A] <%select_n3A> : memref<10000x64xf32, #tpu.memory_space<vmem_shared>> -> memref<?x64xf32, #tpu.memory_space<vmem_shared>>
      %dma_wait3A_15 = arith.constant 0 : i32
      %dma_wait3A_16 = arith.constant 0 : i32
      %dma_wait3A_17 = tpu.memref_slice %arg5[%dma_wait3A_15, %dma_wait3A_16] <%select_n3A> : memref<640x64xf32, #tpu.memory_space<hbm>> -> memref<?x64xf32, #tpu.memory_space<hbm>>
      tpu.wait_dma2 semaphore(%run_scoped3A : memref<!tpu.dma_semaphore, #tpu.memory_space<semaphore_mem>>) src(%dma_wait3A_17 : memref<?x64xf32, #tpu.memory_space<hbm>>) dst(%dma_wait3A_14 : memref<?x64xf32, #tpu.memory_space<vmem_shared>>)
      tpu.yield
    }) : () -> ()
    %barrier3A = arith.constant 0 : index
    tpu.barrier barrier_id(%barrier3A)
    %scan3A = arith.constant 0 : i32
    %scan3A_5 = arith.constant 125 : i32
    %scan3A_6 = arith.addi %scan3A, %scan3A_5 : i32
    %scan3A_7 = arith.constant 1 : i32
    scf.for %scan3A_10 = %scan3A to %scan3A_6 step %scan3A_7  : i32 {
      %mul3A_11 = arith.constant 1 : i32
      %mul3A_12 = arith.muli %scan3A_10, %mul3A_11 : i32
      %add3A_13 = arith.constant 0 : i32
      %add3A_14 = arith.addi %add3A_13, %mul3A_12 : i32
      %dma_start3A = arith.constant 0 : i32
      %dma_start3A_15 = tpu.memref_slice %arg7[%add3A_14, %dma_start3A] : memref<125x80xi32, #tpu.memory_space<vmem>> -> memref<1x80xi32, #tpu.memory_space<vmem>>
      %dma_start3A_16 = tpu.memref_squeeze %dma_start3A_15 : memref<1x80xi32, #tpu.memory_space<vmem>> -> memref<80xi32, #tpu.memory_space<vmem>>
      %dma_start3A_17 = arith.constant 0 : i32
      %dma_start3A_18 = arith.constant 0 : i32
      %dma_start3A_19 = tpu.memref_slice %arg2[%dma_start3A_17, %dma_start3A_18] : memref<10000x64xf32, #tpu.memory_space<hbm>> -> memref<10000x64xf32, #tpu.memory_space<hbm>>
      tpu.enqueue_indirect_dma source(%dma_start3A_19 : memref<10000x64xf32, #tpu.memory_space<hbm>>) target(%arg9 : memref<80x64xf32, #tpu.memory_space<vmem>>) offsets(%dma_start3A_16 : memref<80xi32, #tpu.memory_space<vmem>>) semaphore(%arg11 : memref<!tpu.dma_semaphore, #tpu.memory_space<semaphore_mem>>)
      %dma_wait3A = arith.constant 0 : i32
      %dma_wait3A_20 = tpu.memref_slice %arg7[%add3A_14, %dma_wait3A] : memref<125x80xi32, #tpu.memory_space<vmem>> -> memref<1x80xi32, #tpu.memory_space<vmem>>
      %dma_wait3A_21 = tpu.memref_squeeze %dma_wait3A_20 : memref<1x80xi32, #tpu.memory_space<vmem>> -> memref<80xi32, #tpu.memory_space<vmem>>
      %dma_wait3A_22 = arith.constant 0 : i32
      %dma_wait3A_23 = arith.constant 0 : i32
      %dma_wait3A_24 = tpu.memref_slice %arg2[%dma_wait3A_22, %dma_wait3A_23] : memref<10000x64xf32, #tpu.memory_space<hbm>> -> memref<10000x64xf32, #tpu.memory_space<hbm>>
      tpu.wait_indirect_dma semaphore(%arg11 : memref<!tpu.dma_semaphore, #tpu.memory_space<semaphore_mem>>) src(%dma_wait3A_24 : memref<10000x64xf32, #tpu.memory_space<hbm>>) dst(%arg9 : memref<80x64xf32, #tpu.memory_space<vmem>>)
      "tpu.region"() ({
        %run_scoped3A = tpu.sem_alloc : memref<!tpu.dma_semaphore, #tpu.memory_space<semaphore_mem>>
        %dma_start3A_25 = arith.constant 0 : i32
        %dma_start3A_26 = tpu.memref_slice %arg8[%add3A_14, %dma_start3A_25] : memref<125x80xi32, #tpu.memory_space<vmem>> -> memref<1x80xi32, #tpu.memory_space<vmem>>
        %dma_start3A_27 = tpu.memref_squeeze %dma_start3A_26 : memref<1x80xi32, #tpu.memory_space<vmem>> -> memref<80xi32, #tpu.memory_space<vmem>>
        %dma_start3A_28 = arith.constant 0 : i32
        %dma_start3A_29 = arith.constant 0 : i32
        %dma_start3A_30 = tpu.memref_slice %arg10[%dma_start3A_28, %dma_start3A_29] : memref<10000x64xf32, #tpu.memory_space<vmem_shared>> -> memref<10000x64xf32, #tpu.memory_space<vmem_shared>>
        tpu.enqueue_indirect_dma source(%arg9 : memref<80x64xf32, #tpu.memory_space<vmem>>) target(%dma_start3A_30 : memref<10000x64xf32, #tpu.memory_space<vmem_shared>>) offsets(%dma_start3A_27 : memref<80xi32, #tpu.memory_space<vmem>>) semaphore(%run_scoped3A : memref<!tpu.dma_semaphore, #tpu.memory_space<semaphore_mem>>) {add = true}
        %dma_wait3A_31 = arith.constant 0 : i32
        %dma_wait3A_32 = tpu.memref_slice %arg8[%add3A_14, %dma_wait3A_31] : memref<125x80xi32, #tpu.memory_space<vmem>> -> memref<1x80xi32, #tpu.memory_space<vmem>>
        %dma_wait3A_33 = tpu.memref_squeeze %dma_wait3A_32 : memref<1x80xi32, #tpu.memory_space<vmem>> -> memref<80xi32, #tpu.memory_space<vmem>>
        %dma_wait3A_34 = arith.constant 0 : i32
        %dma_wait3A_35 = arith.constant 0 : i32
        %dma_wait3A_36 = tpu.memref_slice %arg10[%dma_wait3A_34, %dma_wait3A_35] : memref<10000x64xf32, #tpu.memory_space<vmem_shared>> -> memref<10000x64xf32, #tpu.memory_space<vmem_shared>>
        tpu.wait_indirect_dma semaphore(%run_scoped3A : memref<!tpu.dma_semaphore, #tpu.memory_space<semaphore_mem>>) src(%arg9 : memref<80x64xf32, #tpu.memory_space<vmem>>) dst(%dma_wait3A_36 : memref<10000x64xf32, #tpu.memory_space<vmem_shared>>)
        tpu.yield
      }) : () -> ()
    }
    %scan3A_8 = arith.constant 125 : i32
    %barrier3A_9 = arith.constant 0 : index
    tpu.barrier barrier_id(%barrier3A_9)
    "tpu.region"() ({
      %run_scoped3A = tpu.sem_alloc : memref<!tpu.dma_semaphore, #tpu.memory_space<semaphore_mem>>
      %dma_start3A = arith.constant 0 : i32
      %dma_start3A_10 = tpu.memref_slice %arg6[%arg0, %mul3A_2, %dma_start3A] <%select_n3A> : memref<2x10000x64xf32, #tpu.memory_space<hbm>> -> memref<1x?x64xf32, #tpu.memory_space<hbm>>
      %dma_start3A_11 = tpu.memref_squeeze %dma_start3A_10 : memref<1x?x64xf32, #tpu.memory_space<hbm>> -> memref<?x64xf32, #tpu.memory_space<hbm>>
      %dma_start3A_12 = arith.constant 0 : i32
      %dma_start3A_13 = tpu.memref_slice %arg10[%mul3A_2, %dma_start3A_12] <%select_n3A> : memref<10000x64xf32, #tpu.memory_space<vmem_shared>> -> memref<?x64xf32, #tpu.memory_space<vmem_shared>>
      tpu.enqueue_dma source(%dma_start3A_13 : memref<?x64xf32, #tpu.memory_space<vmem_shared>>) target(%dma_start3A_11 : memref<?x64xf32, #tpu.memory_space<hbm>>) target_semaphore(%run_scoped3A : memref<!tpu.dma_semaphore, #tpu.memory_space<semaphore_mem>>)
      %dma_wait3A = arith.constant 0 : i32
      %dma_wait3A_14 = tpu.memref_slice %arg6[%arg0, %mul3A_2, %dma_wait3A] <%select_n3A> : memref<2x10000x64xf32, #tpu.memory_space<hbm>> -> memref<1x?x64xf32, #tpu.memory_space<hbm>>
      %dma_wait3A_15 = tpu.memref_squeeze %dma_wait3A_14 : memref<1x?x64xf32, #tpu.memory_space<hbm>> -> memref<?x64xf32, #tpu.memory_space<hbm>>
      %dma_wait3A_16 = arith.constant 0 : i32
      %dma_wait3A_17 = tpu.memref_slice %arg10[%mul3A_2, %dma_wait3A_16] <%select_n3A> : memref<10000x64xf32, #tpu.memory_space<vmem_shared>> -> memref<?x64xf32, #tpu.memory_space<vmem_shared>>
      tpu.wait_dma2 semaphore(%run_scoped3A : memref<!tpu.dma_semaphore, #tpu.memory_space<semaphore_mem>>) src(%dma_wait3A_17 : memref<?x64xf32, #tpu.memory_space<vmem_shared>>) dst(%dma_wait3A_15 : memref<?x64xf32, #tpu.memory_space<hbm>>)
      tpu.yield
    }) : () -> ()
    return
  }
}

#map = affine_map<(d0, d1) -> (0, 0, 0)>
#map1 = affine_map<(d0, d1) -> (0)>
#map2 = affine_map<(d0, d1) -> (0, 0)>
module attributes {stable_mosaic.version = 14 : i64} {
  func.func @_scatter_w_sc(%arg0: i32, %arg1: i32, %arg2: memref<32x125x80xf32, #tpu.memory_space<hbm>>, %arg3: memref<32x125x80xi32, #tpu.memory_space<hbm>>, %arg4: memref<32x125x80xi32, #tpu.memory_space<hbm>>, %arg5: memref<10000xf32, #tpu.memory_space<hbm>>, %arg6: memref<2x10000xf32, #tpu.memory_space<hbm>>, %arg7: memref<125x80xi32, #tpu.memory_space<vmem>>, %arg8: memref<125x80xi32, #tpu.memory_space<vmem>>, %arg9: memref<125x80xf32, #tpu.memory_space<vmem>>, %arg10: memref<10000xf32, #tpu.memory_space<vmem_shared>>) attributes {dimension_semantics = [#tpu.dimension_semantics<core_parallel>, #tpu.dimension_semantics<subcore_parallel>], iteration_bounds = array<i64: 2, 16>, scalar_prefetch = 0 : i64, scratch_operands = 4 : i64, tpu.core_type = #tpu.core_type<sc_vector_subcore>, window_params = [{transform_indices = #map}, {transform_indices = #map}, {transform_indices = #map}, {transform_indices = #map1}, {transform_indices = #map2}]} {
    %mul3A = arith.constant 2 : i32
    %mul3A_0 = arith.muli %arg1, %mul3A : i32
    %add3A = arith.addi %mul3A_0, %arg0 : i32
    "tpu.region"() ({
      %run_scoped3A = tpu.sem_alloc : memref<!tpu.dma_semaphore, #tpu.memory_space<semaphore_mem>>
      %dma_start3A = arith.constant 0 : i32
      %dma_start3A_13 = arith.constant 0 : i32
      %dma_start3A_14 = tpu.memref_slice %arg3[%add3A, %dma_start3A, %dma_start3A_13] : memref<32x125x80xi32, #tpu.memory_space<hbm>> -> memref<1x125x80xi32, #tpu.memory_space<hbm>>
      %dma_start3A_15 = tpu.memref_squeeze %dma_start3A_14 : memref<1x125x80xi32, #tpu.memory_space<hbm>> -> memref<125x80xi32, #tpu.memory_space<hbm>>
      %dma_start3A_16 = arith.constant 0 : i32
      %dma_start3A_17 = arith.constant 0 : i32
      %dma_start3A_18 = tpu.memref_slice %arg3[%add3A, %dma_start3A_16, %dma_start3A_17] : memref<32x125x80xi32, #tpu.memory_space<hbm>> -> memref<1x125x80xi32, #tpu.memory_space<hbm>>
      %dma_start3A_19 = tpu.memref_squeeze %dma_start3A_18 : memref<1x125x80xi32, #tpu.memory_space<hbm>> -> memref<125x80xi32, #tpu.memory_space<hbm>>
      tpu.enqueue_dma source(%dma_start3A_19 : memref<125x80xi32, #tpu.memory_space<hbm>>) target(%arg7 : memref<125x80xi32, #tpu.memory_space<vmem>>) target_semaphore(%run_scoped3A : memref<!tpu.dma_semaphore, #tpu.memory_space<semaphore_mem>>)
      %dma_wait3A = arith.constant 0 : i32
      %dma_wait3A_20 = arith.constant 0 : i32
      %dma_wait3A_21 = tpu.memref_slice %arg3[%add3A, %dma_wait3A, %dma_wait3A_20] : memref<32x125x80xi32, #tpu.memory_space<hbm>> -> memref<1x125x80xi32, #tpu.memory_space<hbm>>
      %dma_wait3A_22 = tpu.memref_squeeze %dma_wait3A_21 : memref<1x125x80xi32, #tpu.memory_space<hbm>> -> memref<125x80xi32, #tpu.memory_space<hbm>>
      %dma_wait3A_23 = arith.constant 0 : i32
      %dma_wait3A_24 = arith.constant 0 : i32
      %dma_wait3A_25 = tpu.memref_slice %arg3[%add3A, %dma_wait3A_23, %dma_wait3A_24] : memref<32x125x80xi32, #tpu.memory_space<hbm>> -> memref<1x125x80xi32, #tpu.memory_space<hbm>>
      %dma_wait3A_26 = tpu.memref_squeeze %dma_wait3A_25 : memref<1x125x80xi32, #tpu.memory_space<hbm>> -> memref<125x80xi32, #tpu.memory_space<hbm>>
      tpu.wait_dma2 semaphore(%run_scoped3A : memref<!tpu.dma_semaphore, #tpu.memory_space<semaphore_mem>>) src(%dma_wait3A_26 : memref<125x80xi32, #tpu.memory_space<hbm>>) dst(%arg7 : memref<125x80xi32, #tpu.memory_space<vmem>>)
      tpu.yield
    }) : () -> ()
    "tpu.region"() ({
      %run_scoped3A = tpu.sem_alloc : memref<!tpu.dma_semaphore, #tpu.memory_space<semaphore_mem>>
      %dma_start3A = arith.constant 0 : i32
      %dma_start3A_13 = arith.constant 0 : i32
      %dma_start3A_14 = tpu.memref_slice %arg4[%add3A, %dma_start3A, %dma_start3A_13] : memref<32x125x80xi32, #tpu.memory_space<hbm>> -> memref<1x125x80xi32, #tpu.memory_space<hbm>>
      %dma_start3A_15 = tpu.memref_squeeze %dma_start3A_14 : memref<1x125x80xi32, #tpu.memory_space<hbm>> -> memref<125x80xi32, #tpu.memory_space<hbm>>
      %dma_start3A_16 = arith.constant 0 : i32
      %dma_start3A_17 = arith.constant 0 : i32
      %dma_start3A_18 = tpu.memref_slice %arg4[%add3A, %dma_start3A_16, %dma_start3A_17] : memref<32x125x80xi32, #tpu.memory_space<hbm>> -> memref<1x125x80xi32, #tpu.memory_space<hbm>>
      %dma_start3A_19 = tpu.memref_squeeze %dma_start3A_18 : memref<1x125x80xi32, #tpu.memory_space<hbm>> -> memref<125x80xi32, #tpu.memory_space<hbm>>
      tpu.enqueue_dma source(%dma_start3A_19 : memref<125x80xi32, #tpu.memory_space<hbm>>) target(%arg8 : memref<125x80xi32, #tpu.memory_space<vmem>>) target_semaphore(%run_scoped3A : memref<!tpu.dma_semaphore, #tpu.memory_space<semaphore_mem>>)
      %dma_wait3A = arith.constant 0 : i32
      %dma_wait3A_20 = arith.constant 0 : i32
      %dma_wait3A_21 = tpu.memref_slice %arg4[%add3A, %dma_wait3A, %dma_wait3A_20] : memref<32x125x80xi32, #tpu.memory_space<hbm>> -> memref<1x125x80xi32, #tpu.memory_space<hbm>>
      %dma_wait3A_22 = tpu.memref_squeeze %dma_wait3A_21 : memref<1x125x80xi32, #tpu.memory_space<hbm>> -> memref<125x80xi32, #tpu.memory_space<hbm>>
      %dma_wait3A_23 = arith.constant 0 : i32
      %dma_wait3A_24 = arith.constant 0 : i32
      %dma_wait3A_25 = tpu.memref_slice %arg4[%add3A, %dma_wait3A_23, %dma_wait3A_24] : memref<32x125x80xi32, #tpu.memory_space<hbm>> -> memref<1x125x80xi32, #tpu.memory_space<hbm>>
      %dma_wait3A_26 = tpu.memref_squeeze %dma_wait3A_25 : memref<1x125x80xi32, #tpu.memory_space<hbm>> -> memref<125x80xi32, #tpu.memory_space<hbm>>
      tpu.wait_dma2 semaphore(%run_scoped3A : memref<!tpu.dma_semaphore, #tpu.memory_space<semaphore_mem>>) src(%dma_wait3A_26 : memref<125x80xi32, #tpu.memory_space<hbm>>) dst(%arg8 : memref<125x80xi32, #tpu.memory_space<vmem>>)
      tpu.yield
    }) : () -> ()
    "tpu.region"() ({
      %run_scoped3A = tpu.sem_alloc : memref<!tpu.dma_semaphore, #tpu.memory_space<semaphore_mem>>
      %dma_start3A = arith.constant 0 : i32
      %dma_start3A_13 = arith.constant 0 : i32
      %dma_start3A_14 = tpu.memref_slice %arg2[%add3A, %dma_start3A, %dma_start3A_13] : memref<32x125x80xf32, #tpu.memory_space<hbm>> -> memref<1x125x80xf32, #tpu.memory_space<hbm>>
      %dma_start3A_15 = tpu.memref_squeeze %dma_start3A_14 : memref<1x125x80xf32, #tpu.memory_space<hbm>> -> memref<125x80xf32, #tpu.memory_space<hbm>>
      %dma_start3A_16 = arith.constant 0 : i32
      %dma_start3A_17 = arith.constant 0 : i32
      %dma_start3A_18 = tpu.memref_slice %arg2[%add3A, %dma_start3A_16, %dma_start3A_17] : memref<32x125x80xf32, #tpu.memory_space<hbm>> -> memref<1x125x80xf32, #tpu.memory_space<hbm>>
      %dma_start3A_19 = tpu.memref_squeeze %dma_start3A_18 : memref<1x125x80xf32, #tpu.memory_space<hbm>> -> memref<125x80xf32, #tpu.memory_space<hbm>>
      tpu.enqueue_dma source(%dma_start3A_19 : memref<125x80xf32, #tpu.memory_space<hbm>>) target(%arg9 : memref<125x80xf32, #tpu.memory_space<vmem>>) target_semaphore(%run_scoped3A : memref<!tpu.dma_semaphore, #tpu.memory_space<semaphore_mem>>)
      %dma_wait3A = arith.constant 0 : i32
      %dma_wait3A_20 = arith.constant 0 : i32
      %dma_wait3A_21 = tpu.memref_slice %arg2[%add3A, %dma_wait3A, %dma_wait3A_20] : memref<32x125x80xf32, #tpu.memory_space<hbm>> -> memref<1x125x80xf32, #tpu.memory_space<hbm>>
      %dma_wait3A_22 = tpu.memref_squeeze %dma_wait3A_21 : memref<1x125x80xf32, #tpu.memory_space<hbm>> -> memref<125x80xf32, #tpu.memory_space<hbm>>
      %dma_wait3A_23 = arith.constant 0 : i32
      %dma_wait3A_24 = arith.constant 0 : i32
      %dma_wait3A_25 = tpu.memref_slice %arg2[%add3A, %dma_wait3A_23, %dma_wait3A_24] : memref<32x125x80xf32, #tpu.memory_space<hbm>> -> memref<1x125x80xf32, #tpu.memory_space<hbm>>
      %dma_wait3A_26 = tpu.memref_squeeze %dma_wait3A_25 : memref<1x125x80xf32, #tpu.memory_space<hbm>> -> memref<125x80xf32, #tpu.memory_space<hbm>>
      tpu.wait_dma2 semaphore(%run_scoped3A : memref<!tpu.dma_semaphore, #tpu.memory_space<semaphore_mem>>) src(%dma_wait3A_26 : memref<125x80xf32, #tpu.memory_space<hbm>>) dst(%arg9 : memref<125x80xf32, #tpu.memory_space<vmem>>)
      tpu.yield
    }) : () -> ()
    %eq3A = arith.constant 0 : i32
    %eq3A_1 = arith.cmpi eq, %arg1, %eq3A : i32
    %convert_element_type3A = arith.extui %eq3A_1 : i1 to i32
    %cond3A = arith.constant 0 : i32
    %cond3A_2 = arith.cmpi ne, %convert_element_type3A, %cond3A : i32
    scf.if %cond3A_2 {
      "tpu.region"() ({
        %run_scoped3A = tpu.sem_alloc : memref<!tpu.dma_semaphore, #tpu.memory_space<semaphore_mem>>
        tpu.enqueue_dma source(%arg5 : memref<10000xf32, #tpu.memory_space<hbm>>) target(%arg10 : memref<10000xf32, #tpu.memory_space<vmem_shared>>) target_semaphore(%run_scoped3A : memref<!tpu.dma_semaphore, #tpu.memory_space<semaphore_mem>>)
        tpu.wait_dma2 semaphore(%run_scoped3A : memref<!tpu.dma_semaphore, #tpu.memory_space<semaphore_mem>>) src(%arg5 : memref<10000xf32, #tpu.memory_space<hbm>>) dst(%arg10 : memref<10000xf32, #tpu.memory_space<vmem_shared>>)
        tpu.yield
      }) : () -> ()
    } else {
    }
    %barrier3A = arith.constant 0 : index
    tpu.barrier barrier_id(%barrier3A)
    %scan3A = arith.constant 0 : i32
    %scan3A_3 = arith.constant 125 : i32
    %scan3A_4 = arith.addi %scan3A, %scan3A_3 : i32
    %scan3A_5 = arith.constant 1 : i32
    scf.for %scan3A_13 = %scan3A to %scan3A_4 step %scan3A_5  : i32 {
      %mul3A_14 = arith.constant 1 : i32
      %mul3A_15 = arith.muli %scan3A_13, %mul3A_14 : i32
      %add3A_16 = arith.constant 0 : i32
      %add3A_17 = arith.addi %add3A_16, %mul3A_15 : i32
      "tpu.region"() ({
        %run_scoped3A = tpu.sem_alloc : memref<!tpu.dma_semaphore, #tpu.memory_space<semaphore_mem>>
        %dma_start3A = arith.constant 0 : i32
        %dma_start3A_18 = tpu.memref_slice %arg9[%add3A_17, %dma_start3A] : memref<125x80xf32, #tpu.memory_space<vmem>> -> memref<1x80xf32, #tpu.memory_space<vmem>>
        %dma_start3A_19 = tpu.memref_squeeze %dma_start3A_18 : memref<1x80xf32, #tpu.memory_space<vmem>> -> memref<80xf32, #tpu.memory_space<vmem>>
        %dma_start3A_20 = arith.constant 0 : i32
        %dma_start3A_21 = tpu.memref_slice %arg7[%add3A_17, %dma_start3A_20] : memref<125x80xi32, #tpu.memory_space<vmem>> -> memref<1x80xi32, #tpu.memory_space<vmem>>
        %dma_start3A_22 = tpu.memref_squeeze %dma_start3A_21 : memref<1x80xi32, #tpu.memory_space<vmem>> -> memref<80xi32, #tpu.memory_space<vmem>>
        %dma_start3A_23 = arith.constant 0 : i32
        %dma_start3A_24 = tpu.memref_slice %arg10[%dma_start3A_23] : memref<10000xf32, #tpu.memory_space<vmem_shared>> -> memref<10000xf32, #tpu.memory_space<vmem_shared>>
        tpu.enqueue_indirect_dma source(%dma_start3A_19 : memref<80xf32, #tpu.memory_space<vmem>>) target(%dma_start3A_24 : memref<10000xf32, #tpu.memory_space<vmem_shared>>) offsets(%dma_start3A_22 : memref<80xi32, #tpu.memory_space<vmem>>) semaphore(%run_scoped3A : memref<!tpu.dma_semaphore, #tpu.memory_space<semaphore_mem>>) {add = true}
        %dma_wait3A = arith.constant 0 : i32
        %dma_wait3A_25 = tpu.memref_slice %arg9[%add3A_17, %dma_wait3A] : memref<125x80xf32, #tpu.memory_space<vmem>> -> memref<1x80xf32, #tpu.memory_space<vmem>>
        %dma_wait3A_26 = tpu.memref_squeeze %dma_wait3A_25 : memref<1x80xf32, #tpu.memory_space<vmem>> -> memref<80xf32, #tpu.memory_space<vmem>>
        %dma_wait3A_27 = arith.constant 0 : i32
        %dma_wait3A_28 = tpu.memref_slice %arg7[%add3A_17, %dma_wait3A_27] : memref<125x80xi32, #tpu.memory_space<vmem>> -> memref<1x80xi32, #tpu.memory_space<vmem>>
        %dma_wait3A_29 = tpu.memref_squeeze %dma_wait3A_28 : memref<1x80xi32, #tpu.memory_space<vmem>> -> memref<80xi32, #tpu.memory_space<vmem>>
        %dma_wait3A_30 = arith.constant 0 : i32
        %dma_wait3A_31 = tpu.memref_slice %arg10[%dma_wait3A_30] : memref<10000xf32, #tpu.memory_space<vmem_shared>> -> memref<10000xf32, #tpu.memory_space<vmem_shared>>
        tpu.wait_indirect_dma semaphore(%run_scoped3A : memref<!tpu.dma_semaphore, #tpu.memory_space<semaphore_mem>>) src(%dma_wait3A_26 : memref<80xf32, #tpu.memory_space<vmem>>) dst(%dma_wait3A_31 : memref<10000xf32, #tpu.memory_space<vmem_shared>>)
        tpu.yield
      }) : () -> ()
      "tpu.region"() ({
        %run_scoped3A = tpu.sem_alloc : memref<!tpu.dma_semaphore, #tpu.memory_space<semaphore_mem>>
        %dma_start3A = arith.constant 0 : i32
        %dma_start3A_18 = tpu.memref_slice %arg9[%add3A_17, %dma_start3A] : memref<125x80xf32, #tpu.memory_space<vmem>> -> memref<1x80xf32, #tpu.memory_space<vmem>>
        %dma_start3A_19 = tpu.memref_squeeze %dma_start3A_18 : memref<1x80xf32, #tpu.memory_space<vmem>> -> memref<80xf32, #tpu.memory_space<vmem>>
        %dma_start3A_20 = arith.constant 0 : i32
        %dma_start3A_21 = tpu.memref_slice %arg8[%add3A_17, %dma_start3A_20] : memref<125x80xi32, #tpu.memory_space<vmem>> -> memref<1x80xi32, #tpu.memory_space<vmem>>
        %dma_start3A_22 = tpu.memref_squeeze %dma_start3A_21 : memref<1x80xi32, #tpu.memory_space<vmem>> -> memref<80xi32, #tpu.memory_space<vmem>>
        %dma_start3A_23 = arith.constant 0 : i32
        %dma_start3A_24 = tpu.memref_slice %arg10[%dma_start3A_23] : memref<10000xf32, #tpu.memory_space<vmem_shared>> -> memref<10000xf32, #tpu.memory_space<vmem_shared>>
        tpu.enqueue_indirect_dma source(%dma_start3A_19 : memref<80xf32, #tpu.memory_space<vmem>>) target(%dma_start3A_24 : memref<10000xf32, #tpu.memory_space<vmem_shared>>) offsets(%dma_start3A_22 : memref<80xi32, #tpu.memory_space<vmem>>) semaphore(%run_scoped3A : memref<!tpu.dma_semaphore, #tpu.memory_space<semaphore_mem>>) {add = true}
        %dma_wait3A = arith.constant 0 : i32
        %dma_wait3A_25 = tpu.memref_slice %arg9[%add3A_17, %dma_wait3A] : memref<125x80xf32, #tpu.memory_space<vmem>> -> memref<1x80xf32, #tpu.memory_space<vmem>>
        %dma_wait3A_26 = tpu.memref_squeeze %dma_wait3A_25 : memref<1x80xf32, #tpu.memory_space<vmem>> -> memref<80xf32, #tpu.memory_space<vmem>>
        %dma_wait3A_27 = arith.constant 0 : i32
        %dma_wait3A_28 = tpu.memref_slice %arg8[%add3A_17, %dma_wait3A_27] : memref<125x80xi32, #tpu.memory_space<vmem>> -> memref<1x80xi32, #tpu.memory_space<vmem>>
        %dma_wait3A_29 = tpu.memref_squeeze %dma_wait3A_28 : memref<1x80xi32, #tpu.memory_space<vmem>> -> memref<80xi32, #tpu.memory_space<vmem>>
        %dma_wait3A_30 = arith.constant 0 : i32
        %dma_wait3A_31 = tpu.memref_slice %arg10[%dma_wait3A_30] : memref<10000xf32, #tpu.memory_space<vmem_shared>> -> memref<10000xf32, #tpu.memory_space<vmem_shared>>
        tpu.wait_indirect_dma semaphore(%run_scoped3A : memref<!tpu.dma_semaphore, #tpu.memory_space<semaphore_mem>>) src(%dma_wait3A_26 : memref<80xf32, #tpu.memory_space<vmem>>) dst(%dma_wait3A_31 : memref<10000xf32, #tpu.memory_space<vmem_shared>>)
        tpu.yield
      }) : () -> ()
    }
    %scan3A_6 = arith.constant 125 : i32
    %barrier3A_7 = arith.constant 0 : index
    tpu.barrier barrier_id(%barrier3A_7)
    %eq3A_8 = arith.constant 0 : i32
    %eq3A_9 = arith.cmpi eq, %arg1, %eq3A_8 : i32
    %convert_element_type3A_10 = arith.extui %eq3A_9 : i1 to i32
    %cond3A_11 = arith.constant 0 : i32
    %cond3A_12 = arith.cmpi ne, %convert_element_type3A_10, %cond3A_11 : i32
    scf.if %cond3A_12 {
      "tpu.region"() ({
        %run_scoped3A = tpu.sem_alloc : memref<!tpu.dma_semaphore, #tpu.memory_space<semaphore_mem>>
        %dma_start3A = arith.constant 0 : i32
        %dma_start3A_13 = tpu.memref_slice %arg6[%arg0, %dma_start3A] : memref<2x10000xf32, #tpu.memory_space<hbm>> -> memref<1x10000xf32, #tpu.memory_space<hbm>>
        %dma_start3A_14 = tpu.memref_squeeze %dma_start3A_13 : memref<1x10000xf32, #tpu.memory_space<hbm>> -> memref<10000xf32, #tpu.memory_space<hbm>>
        tpu.enqueue_dma source(%arg10 : memref<10000xf32, #tpu.memory_space<vmem_shared>>) target(%dma_start3A_14 : memref<10000xf32, #tpu.memory_space<hbm>>) target_semaphore(%run_scoped3A : memref<!tpu.dma_semaphore, #tpu.memory_space<semaphore_mem>>)
        %dma_wait3A = arith.constant 0 : i32
        %dma_wait3A_15 = tpu.memref_slice %arg6[%arg0, %dma_wait3A] : memref<2x10000xf32, #tpu.memory_space<hbm>> -> memref<1x10000xf32, #tpu.memory_space<hbm>>
        %dma_wait3A_16 = tpu.memref_squeeze %dma_wait3A_15 : memref<1x10000xf32, #tpu.memory_space<hbm>> -> memref<10000xf32, #tpu.memory_space<hbm>>
        tpu.wait_dma2 semaphore(%run_scoped3A : memref<!tpu.dma_semaphore, #tpu.memory_space<semaphore_mem>>) src(%arg10 : memref<10000xf32, #tpu.memory_space<vmem_shared>>) dst(%dma_wait3A_16 : memref<10000xf32, #tpu.memory_space<hbm>>)
        tpu.yield
      }) : () -> ()
    } else {
    }
    return
  }
}

#map = affine_map<(d0, d1) -> (0, 0)>
#map1 = affine_map<(d0, d1) -> (0, 0, 0)>
module attributes {stable_mosaic.version = 14 : i64} {
  func.func @_pair_gather_sc(%arg0: i32, %arg1: i32, %arg2: memref<10000x64xf32, #tpu.memory_space<hbm>>, %arg3: memref<32x125x80xi32, #tpu.memory_space<hbm>>, %arg4: memref<32x125x80xi32, #tpu.memory_space<hbm>>, %arg5: memref<320000x64xf32, #tpu.memory_space<hbm>>, %arg6: memref<320000x64xf32, #tpu.memory_space<hbm>>, %arg7: memref<125x80xi32, #tpu.memory_space<vmem>>, %arg8: memref<125x80xi32, #tpu.memory_space<vmem>>, %arg9: memref<80x64xf32, #tpu.memory_space<vmem>>, %arg10: memref<80x64xf32, #tpu.memory_space<vmem>>, %arg11: memref<!tpu.dma_semaphore, #tpu.memory_space<semaphore_mem>>, %arg12: memref<!tpu.dma_semaphore, #tpu.memory_space<semaphore_mem>>) attributes {dimension_semantics = [#tpu.dimension_semantics<core_parallel>, #tpu.dimension_semantics<subcore_parallel>], iteration_bounds = array<i64: 2, 16>, scalar_prefetch = 0 : i64, scratch_operands = 6 : i64, tpu.core_type = #tpu.core_type<sc_vector_subcore>, window_params = [{transform_indices = #map}, {transform_indices = #map1}, {transform_indices = #map1}, {transform_indices = #map}, {transform_indices = #map}]} {
    %mul3A = arith.constant 2 : i32
    %mul3A_0 = arith.muli %arg1, %mul3A : i32
    %add3A = arith.addi %mul3A_0, %arg0 : i32
    %mul3A_1 = arith.constant 10000 : i32
    %mul3A_2 = arith.muli %add3A, %mul3A_1 : i32
    "tpu.region"() ({
      %run_scoped3A = tpu.sem_alloc : memref<!tpu.dma_semaphore, #tpu.memory_space<semaphore_mem>>
      %dma_start3A = arith.constant 0 : i32
      %dma_start3A_7 = arith.constant 0 : i32
      %dma_start3A_8 = tpu.memref_slice %arg3[%add3A, %dma_start3A, %dma_start3A_7] : memref<32x125x80xi32, #tpu.memory_space<hbm>> -> memref<1x125x80xi32, #tpu.memory_space<hbm>>
      %dma_start3A_9 = tpu.memref_squeeze %dma_start3A_8 : memref<1x125x80xi32, #tpu.memory_space<hbm>> -> memref<125x80xi32, #tpu.memory_space<hbm>>
      %dma_start3A_10 = arith.constant 0 : i32
      %dma_start3A_11 = arith.constant 0 : i32
      %dma_start3A_12 = tpu.memref_slice %arg3[%add3A, %dma_start3A_10, %dma_start3A_11] : memref<32x125x80xi32, #tpu.memory_space<hbm>> -> memref<1x125x80xi32, #tpu.memory_space<hbm>>
      %dma_start3A_13 = tpu.memref_squeeze %dma_start3A_12 : memref<1x125x80xi32, #tpu.memory_space<hbm>> -> memref<125x80xi32, #tpu.memory_space<hbm>>
      tpu.enqueue_dma source(%dma_start3A_13 : memref<125x80xi32, #tpu.memory_space<hbm>>) target(%arg7 : memref<125x80xi32, #tpu.memory_space<vmem>>) target_semaphore(%run_scoped3A : memref<!tpu.dma_semaphore, #tpu.memory_space<semaphore_mem>>)
      %dma_wait3A = arith.constant 0 : i32
      %dma_wait3A_14 = arith.constant 0 : i32
      %dma_wait3A_15 = tpu.memref_slice %arg3[%add3A, %dma_wait3A, %dma_wait3A_14] : memref<32x125x80xi32, #tpu.memory_space<hbm>> -> memref<1x125x80xi32, #tpu.memory_space<hbm>>
      %dma_wait3A_16 = tpu.memref_squeeze %dma_wait3A_15 : memref<1x125x80xi32, #tpu.memory_space<hbm>> -> memref<125x80xi32, #tpu.memory_space<hbm>>
      %dma_wait3A_17 = arith.constant 0 : i32
      %dma_wait3A_18 = arith.constant 0 : i32
      %dma_wait3A_19 = tpu.memref_slice %arg3[%add3A, %dma_wait3A_17, %dma_wait3A_18] : memref<32x125x80xi32, #tpu.memory_space<hbm>> -> memref<1x125x80xi32, #tpu.memory_space<hbm>>
      %dma_wait3A_20 = tpu.memref_squeeze %dma_wait3A_19 : memref<1x125x80xi32, #tpu.memory_space<hbm>> -> memref<125x80xi32, #tpu.memory_space<hbm>>
      tpu.wait_dma2 semaphore(%run_scoped3A : memref<!tpu.dma_semaphore, #tpu.memory_space<semaphore_mem>>) src(%dma_wait3A_20 : memref<125x80xi32, #tpu.memory_space<hbm>>) dst(%arg7 : memref<125x80xi32, #tpu.memory_space<vmem>>)
      tpu.yield
    }) : () -> ()
    "tpu.region"() ({
      %run_scoped3A = tpu.sem_alloc : memref<!tpu.dma_semaphore, #tpu.memory_space<semaphore_mem>>
      %dma_start3A = arith.constant 0 : i32
      %dma_start3A_7 = arith.constant 0 : i32
      %dma_start3A_8 = tpu.memref_slice %arg4[%add3A, %dma_start3A, %dma_start3A_7] : memref<32x125x80xi32, #tpu.memory_space<hbm>> -> memref<1x125x80xi32, #tpu.memory_space<hbm>>
      %dma_start3A_9 = tpu.memref_squeeze %dma_start3A_8 : memref<1x125x80xi32, #tpu.memory_space<hbm>> -> memref<125x80xi32, #tpu.memory_space<hbm>>
      %dma_start3A_10 = arith.constant 0 : i32
      %dma_start3A_11 = arith.constant 0 : i32
      %dma_start3A_12 = tpu.memref_slice %arg4[%add3A, %dma_start3A_10, %dma_start3A_11] : memref<32x125x80xi32, #tpu.memory_space<hbm>> -> memref<1x125x80xi32, #tpu.memory_space<hbm>>
      %dma_start3A_13 = tpu.memref_squeeze %dma_start3A_12 : memref<1x125x80xi32, #tpu.memory_space<hbm>> -> memref<125x80xi32, #tpu.memory_space<hbm>>
      tpu.enqueue_dma source(%dma_start3A_13 : memref<125x80xi32, #tpu.memory_space<hbm>>) target(%arg8 : memref<125x80xi32, #tpu.memory_space<vmem>>) target_semaphore(%run_scoped3A : memref<!tpu.dma_semaphore, #tpu.memory_space<semaphore_mem>>)
      %dma_wait3A = arith.constant 0 : i32
      %dma_wait3A_14 = arith.constant 0 : i32
      %dma_wait3A_15 = tpu.memref_slice %arg4[%add3A, %dma_wait3A, %dma_wait3A_14] : memref<32x125x80xi32, #tpu.memory_space<hbm>> -> memref<1x125x80xi32, #tpu.memory_space<hbm>>
      %dma_wait3A_16 = tpu.memref_squeeze %dma_wait3A_15 : memref<1x125x80xi32, #tpu.memory_space<hbm>> -> memref<125x80xi32, #tpu.memory_space<hbm>>
      %dma_wait3A_17 = arith.constant 0 : i32
      %dma_wait3A_18 = arith.constant 0 : i32
      %dma_wait3A_19 = tpu.memref_slice %arg4[%add3A, %dma_wait3A_17, %dma_wait3A_18] : memref<32x125x80xi32, #tpu.memory_space<hbm>> -> memref<1x125x80xi32, #tpu.memory_space<hbm>>
      %dma_wait3A_20 = tpu.memref_squeeze %dma_wait3A_19 : memref<1x125x80xi32, #tpu.memory_space<hbm>> -> memref<125x80xi32, #tpu.memory_space<hbm>>
      tpu.wait_dma2 semaphore(%run_scoped3A : memref<!tpu.dma_semaphore, #tpu.memory_space<semaphore_mem>>) src(%dma_wait3A_20 : memref<125x80xi32, #tpu.memory_space<hbm>>) dst(%arg8 : memref<125x80xi32, #tpu.memory_space<vmem>>)
      tpu.yield
    }) : () -> ()
    %scan3A = arith.constant 0 : i32
    %scan3A_3 = arith.constant 125 : i32
    %scan3A_4 = arith.addi %scan3A, %scan3A_3 : i32
    %scan3A_5 = arith.constant 1 : i32
    scf.for %scan3A_7 = %scan3A to %scan3A_4 step %scan3A_5  : i32 {
      %mul3A_8 = arith.constant 1 : i32
      %mul3A_9 = arith.muli %scan3A_7, %mul3A_8 : i32
      %add3A_10 = arith.constant 0 : i32
      %add3A_11 = arith.addi %add3A_10, %mul3A_9 : i32
      %dma_start3A = arith.constant 0 : i32
      %dma_start3A_12 = tpu.memref_slice %arg7[%add3A_11, %dma_start3A] : memref<125x80xi32, #tpu.memory_space<vmem>> -> memref<1x80xi32, #tpu.memory_space<vmem>>
      %dma_start3A_13 = tpu.memref_squeeze %dma_start3A_12 : memref<1x80xi32, #tpu.memory_space<vmem>> -> memref<80xi32, #tpu.memory_space<vmem>>
      %dma_start3A_14 = arith.constant 0 : i32
      %dma_start3A_15 = arith.constant 0 : i32
      %dma_start3A_16 = tpu.memref_slice %arg2[%dma_start3A_14, %dma_start3A_15] : memref<10000x64xf32, #tpu.memory_space<hbm>> -> memref<10000x64xf32, #tpu.memory_space<hbm>>
      tpu.enqueue_indirect_dma source(%dma_start3A_16 : memref<10000x64xf32, #tpu.memory_space<hbm>>) target(%arg9 : memref<80x64xf32, #tpu.memory_space<vmem>>) offsets(%dma_start3A_13 : memref<80xi32, #tpu.memory_space<vmem>>) semaphore(%arg11 : memref<!tpu.dma_semaphore, #tpu.memory_space<semaphore_mem>>)
      %dma_start3A_17 = arith.constant 0 : i32
      %dma_start3A_18 = tpu.memref_slice %arg8[%add3A_11, %dma_start3A_17] : memref<125x80xi32, #tpu.memory_space<vmem>> -> memref<1x80xi32, #tpu.memory_space<vmem>>
      %dma_start3A_19 = tpu.memref_squeeze %dma_start3A_18 : memref<1x80xi32, #tpu.memory_space<vmem>> -> memref<80xi32, #tpu.memory_space<vmem>>
      %dma_start3A_20 = arith.constant 0 : i32
      %dma_start3A_21 = arith.constant 0 : i32
      %dma_start3A_22 = tpu.memref_slice %arg2[%dma_start3A_20, %dma_start3A_21] : memref<10000x64xf32, #tpu.memory_space<hbm>> -> memref<10000x64xf32, #tpu.memory_space<hbm>>
      tpu.enqueue_indirect_dma source(%dma_start3A_22 : memref<10000x64xf32, #tpu.memory_space<hbm>>) target(%arg10 : memref<80x64xf32, #tpu.memory_space<vmem>>) offsets(%dma_start3A_19 : memref<80xi32, #tpu.memory_space<vmem>>) semaphore(%arg12 : memref<!tpu.dma_semaphore, #tpu.memory_space<semaphore_mem>>)
      %dma_wait3A = arith.constant 0 : i32
      %dma_wait3A_23 = tpu.memref_slice %arg7[%add3A_11, %dma_wait3A] : memref<125x80xi32, #tpu.memory_space<vmem>> -> memref<1x80xi32, #tpu.memory_space<vmem>>
      %dma_wait3A_24 = tpu.memref_squeeze %dma_wait3A_23 : memref<1x80xi32, #tpu.memory_space<vmem>> -> memref<80xi32, #tpu.memory_space<vmem>>
      %dma_wait3A_25 = arith.constant 0 : i32
      %dma_wait3A_26 = arith.constant 0 : i32
      %dma_wait3A_27 = tpu.memref_slice %arg2[%dma_wait3A_25, %dma_wait3A_26] : memref<10000x64xf32, #tpu.memory_space<hbm>> -> memref<10000x64xf32, #tpu.memory_space<hbm>>
      tpu.wait_indirect_dma semaphore(%arg11 : memref<!tpu.dma_semaphore, #tpu.memory_space<semaphore_mem>>) src(%dma_wait3A_27 : memref<10000x64xf32, #tpu.memory_space<hbm>>) dst(%arg9 : memref<80x64xf32, #tpu.memory_space<vmem>>)
      %mul3A_28 = arith.constant 80 : i32
      %mul3A_29 = arith.muli %add3A_11, %mul3A_28 : i32
      %add3A_30 = arith.addi %mul3A_2, %mul3A_29 : i32
      "tpu.region"() ({
        %run_scoped3A = tpu.sem_alloc : memref<!tpu.dma_semaphore, #tpu.memory_space<semaphore_mem>>
        %dma_start3A_40 = arith.constant 0 : i32
        %dma_start3A_41 = tpu.memref_slice %arg5[%add3A_30, %dma_start3A_40] : memref<320000x64xf32, #tpu.memory_space<hbm>> -> memref<80x64xf32, #tpu.memory_space<hbm>>
        %dma_start3A_42 = arith.constant 0 : i32
        %dma_start3A_43 = tpu.memref_slice %arg5[%add3A_30, %dma_start3A_42] : memref<320000x64xf32, #tpu.memory_space<hbm>> -> memref<80x64xf32, #tpu.memory_space<hbm>>
        tpu.enqueue_dma source(%arg9 : memref<80x64xf32, #tpu.memory_space<vmem>>) target(%dma_start3A_43 : memref<80x64xf32, #tpu.memory_space<hbm>>) target_semaphore(%run_scoped3A : memref<!tpu.dma_semaphore, #tpu.memory_space<semaphore_mem>>)
        %dma_wait3A_44 = arith.constant 0 : i32
        %dma_wait3A_45 = tpu.memref_slice %arg5[%add3A_30, %dma_wait3A_44] : memref<320000x64xf32, #tpu.memory_space<hbm>> -> memref<80x64xf32, #tpu.memory_space<hbm>>
        %dma_wait3A_46 = arith.constant 0 : i32
        %dma_wait3A_47 = tpu.memref_slice %arg5[%add3A_30, %dma_wait3A_46] : memref<320000x64xf32, #tpu.memory_space<hbm>> -> memref<80x64xf32, #tpu.memory_space<hbm>>
        tpu.wait_dma2 semaphore(%run_scoped3A : memref<!tpu.dma_semaphore, #tpu.memory_space<semaphore_mem>>) src(%arg9 : memref<80x64xf32, #tpu.memory_space<vmem>>) dst(%dma_wait3A_47 : memref<80x64xf32, #tpu.memory_space<hbm>>)
        tpu.yield
      }) : () -> ()
      %dma_wait3A_31 = arith.constant 0 : i32
      %dma_wait3A_32 = tpu.memref_slice %arg8[%add3A_11, %dma_wait3A_31] : memref<125x80xi32, #tpu.memory_space<vmem>> -> memref<1x80xi32, #tpu.memory_space<vmem>>
      %dma_wait3A_33 = tpu.memref_squeeze %dma_wait3A_32 : memref<1x80xi32, #tpu.memory_space<vmem>> -> memref<80xi32, #tpu.memory_space<vmem>>
      %dma_wait3A_34 = arith.constant 0 : i32
      %dma_wait3A_35 = arith.constant 0 : i32
      %dma_wait3A_36 = tpu.memref_slice %arg2[%dma_wait3A_34, %dma_wait3A_35] : memref<10000x64xf32, #tpu.memory_space<hbm>> -> memref<10000x64xf32, #tpu.memory_space<hbm>>
      tpu.wait_indirect_dma semaphore(%arg12 : memref<!tpu.dma_semaphore, #tpu.memory_space<semaphore_mem>>) src(%dma_wait3A_36 : memref<10000x64xf32, #tpu.memory_space<hbm>>) dst(%arg10 : memref<80x64xf32, #tpu.memory_space<vmem>>)
      %mul3A_37 = arith.constant 80 : i32
      %mul3A_38 = arith.muli %add3A_11, %mul3A_37 : i32
      %add3A_39 = arith.addi %mul3A_2, %mul3A_38 : i32
      "tpu.region"() ({
        %run_scoped3A = tpu.sem_alloc : memref<!tpu.dma_semaphore, #tpu.memory_space<semaphore_mem>>
        %dma_start3A_40 = arith.constant 0 : i32
        %dma_start3A_41 = tpu.memref_slice %arg6[%add3A_39, %dma_start3A_40] : memref<320000x64xf32, #tpu.memory_space<hbm>> -> memref<80x64xf32, #tpu.memory_space<hbm>>
        %dma_start3A_42 = arith.constant 0 : i32
        %dma_start3A_43 = tpu.memref_slice %arg6[%add3A_39, %dma_start3A_42] : memref<320000x64xf32, #tpu.memory_space<hbm>> -> memref<80x64xf32, #tpu.memory_space<hbm>>
        tpu.enqueue_dma source(%arg10 : memref<80x64xf32, #tpu.memory_space<vmem>>) target(%dma_start3A_43 : memref<80x64xf32, #tpu.memory_space<hbm>>) target_semaphore(%run_scoped3A : memref<!tpu.dma_semaphore, #tpu.memory_space<semaphore_mem>>)
        %dma_wait3A_44 = arith.constant 0 : i32
        %dma_wait3A_45 = tpu.memref_slice %arg6[%add3A_39, %dma_wait3A_44] : memref<320000x64xf32, #tpu.memory_space<hbm>> -> memref<80x64xf32, #tpu.memory_space<hbm>>
        %dma_wait3A_46 = arith.constant 0 : i32
        %dma_wait3A_47 = tpu.memref_slice %arg6[%add3A_39, %dma_wait3A_46] : memref<320000x64xf32, #tpu.memory_space<hbm>> -> memref<80x64xf32, #tpu.memory_space<hbm>>
        tpu.wait_dma2 semaphore(%run_scoped3A : memref<!tpu.dma_semaphore, #tpu.memory_space<semaphore_mem>>) src(%arg10 : memref<80x64xf32, #tpu.memory_space<vmem>>) dst(%dma_wait3A_47 : memref<80x64xf32, #tpu.memory_space<hbm>>)
        tpu.yield
      }) : () -> ()
    }
    %scan3A_6 = arith.constant 125 : i32
    return
  }
}

#map = affine_map<(d0, d1) -> (0, 0)>
#map1 = affine_map<(d0, d1) -> (0, 0, 0)>
module attributes {stable_mosaic.version = 14 : i64} {
  func.func @_segsum_sc(%arg0: i32, %arg1: i32, %arg2: memref<10000x64xf32, #tpu.memory_space<hbm>>, %arg3: memref<32x125x80xi32, #tpu.memory_space<hbm>>, %arg4: memref<32x125x80xi32, #tpu.memory_space<hbm>>, %arg5: memref<640x64xf32, #tpu.memory_space<hbm>>, %arg6: memref<2x10000x64xf32, #tpu.memory_space<hbm>>, %arg7: memref<125x80xi32, #tpu.memory_space<vmem>>, %arg8: memref<125x80xi32, #tpu.memory_space<vmem>>, %arg9: memref<80x64xf32, #tpu.memory_space<vmem>>, %arg10: memref<10000x64xf32, #tpu.memory_space<vmem_shared>>, %arg11: memref<!tpu.dma_semaphore, #tpu.memory_space<semaphore_mem>>) attributes {dimension_semantics = [#tpu.dimension_semantics<core_parallel>, #tpu.dimension_semantics<subcore_parallel>], iteration_bounds = array<i64: 2, 16>, scalar_prefetch = 0 : i64, scratch_operands = 5 : i64, tpu.core_type = #tpu.core_type<sc_vector_subcore>, window_params = [{transform_indices = #map}, {transform_indices = #map1}, {transform_indices = #map1}, {transform_indices = #map}, {transform_indices = #map1}]} {
    %mul3A = arith.constant 2 : i32
    %mul3A_0 = arith.muli %arg1, %mul3A : i32
    %add3A = arith.addi %mul3A_0, %arg0 : i32
    "tpu.region"() ({
      %run_scoped3A = tpu.sem_alloc : memref<!tpu.dma_semaphore, #tpu.memory_space<semaphore_mem>>
      %dma_start3A = arith.constant 0 : i32
      %dma_start3A_10 = arith.constant 0 : i32
      %dma_start3A_11 = tpu.memref_slice %arg3[%add3A, %dma_start3A, %dma_start3A_10] : memref<32x125x80xi32, #tpu.memory_space<hbm>> -> memref<1x125x80xi32, #tpu.memory_space<hbm>>
      %dma_start3A_12 = tpu.memref_squeeze %dma_start3A_11 : memref<1x125x80xi32, #tpu.memory_space<hbm>> -> memref<125x80xi32, #tpu.memory_space<hbm>>
      %dma_start3A_13 = arith.constant 0 : i32
      %dma_start3A_14 = arith.constant 0 : i32
      %dma_start3A_15 = tpu.memref_slice %arg3[%add3A, %dma_start3A_13, %dma_start3A_14] : memref<32x125x80xi32, #tpu.memory_space<hbm>> -> memref<1x125x80xi32, #tpu.memory_space<hbm>>
      %dma_start3A_16 = tpu.memref_squeeze %dma_start3A_15 : memref<1x125x80xi32, #tpu.memory_space<hbm>> -> memref<125x80xi32, #tpu.memory_space<hbm>>
      tpu.enqueue_dma source(%dma_start3A_16 : memref<125x80xi32, #tpu.memory_space<hbm>>) target(%arg7 : memref<125x80xi32, #tpu.memory_space<vmem>>) target_semaphore(%run_scoped3A : memref<!tpu.dma_semaphore, #tpu.memory_space<semaphore_mem>>)
      %dma_wait3A = arith.constant 0 : i32
      %dma_wait3A_17 = arith.constant 0 : i32
      %dma_wait3A_18 = tpu.memref_slice %arg3[%add3A, %dma_wait3A, %dma_wait3A_17] : memref<32x125x80xi32, #tpu.memory_space<hbm>> -> memref<1x125x80xi32, #tpu.memory_space<hbm>>
      %dma_wait3A_19 = tpu.memref_squeeze %dma_wait3A_18 : memref<1x125x80xi32, #tpu.memory_space<hbm>> -> memref<125x80xi32, #tpu.memory_space<hbm>>
      %dma_wait3A_20 = arith.constant 0 : i32
      %dma_wait3A_21 = arith.constant 0 : i32
      %dma_wait3A_22 = tpu.memref_slice %arg3[%add3A, %dma_wait3A_20, %dma_wait3A_21] : memref<32x125x80xi32, #tpu.memory_space<hbm>> -> memref<1x125x80xi32, #tpu.memory_space<hbm>>
      %dma_wait3A_23 = tpu.memref_squeeze %dma_wait3A_22 : memref<1x125x80xi32, #tpu.memory_space<hbm>> -> memref<125x80xi32, #tpu.memory_space<hbm>>
      tpu.wait_dma2 semaphore(%run_scoped3A : memref<!tpu.dma_semaphore, #tpu.memory_space<semaphore_mem>>) src(%dma_wait3A_23 : memref<125x80xi32, #tpu.memory_space<hbm>>) dst(%arg7 : memref<125x80xi32, #tpu.memory_space<vmem>>)
      tpu.yield
    }) : () -> ()
    "tpu.region"() ({
      %run_scoped3A = tpu.sem_alloc : memref<!tpu.dma_semaphore, #tpu.memory_space<semaphore_mem>>
      %dma_start3A = arith.constant 0 : i32
      %dma_start3A_10 = arith.constant 0 : i32
      %dma_start3A_11 = tpu.memref_slice %arg4[%add3A, %dma_start3A, %dma_start3A_10] : memref<32x125x80xi32, #tpu.memory_space<hbm>> -> memref<1x125x80xi32, #tpu.memory_space<hbm>>
      %dma_start3A_12 = tpu.memref_squeeze %dma_start3A_11 : memref<1x125x80xi32, #tpu.memory_space<hbm>> -> memref<125x80xi32, #tpu.memory_space<hbm>>
      %dma_start3A_13 = arith.constant 0 : i32
      %dma_start3A_14 = arith.constant 0 : i32
      %dma_start3A_15 = tpu.memref_slice %arg4[%add3A, %dma_start3A_13, %dma_start3A_14] : memref<32x125x80xi32, #tpu.memory_space<hbm>> -> memref<1x125x80xi32, #tpu.memory_space<hbm>>
      %dma_start3A_16 = tpu.memref_squeeze %dma_start3A_15 : memref<1x125x80xi32, #tpu.memory_space<hbm>> -> memref<125x80xi32, #tpu.memory_space<hbm>>
      tpu.enqueue_dma source(%dma_start3A_16 : memref<125x80xi32, #tpu.memory_space<hbm>>) target(%arg8 : memref<125x80xi32, #tpu.memory_space<vmem>>) target_semaphore(%run_scoped3A : memref<!tpu.dma_semaphore, #tpu.memory_space<semaphore_mem>>)
      %dma_wait3A = arith.constant 0 : i32
      %dma_wait3A_17 = arith.constant 0 : i32
      %dma_wait3A_18 = tpu.memref_slice %arg4[%add3A, %dma_wait3A, %dma_wait3A_17] : memref<32x125x80xi32, #tpu.memory_space<hbm>> -> memref<1x125x80xi32, #tpu.memory_space<hbm>>
      %dma_wait3A_19 = tpu.memref_squeeze %dma_wait3A_18 : memref<1x125x80xi32, #tpu.memory_space<hbm>> -> memref<125x80xi32, #tpu.memory_space<hbm>>
      %dma_wait3A_20 = arith.constant 0 : i32
      %dma_wait3A_21 = arith.constant 0 : i32
      %dma_wait3A_22 = tpu.memref_slice %arg4[%add3A, %dma_wait3A_20, %dma_wait3A_21] : memref<32x125x80xi32, #tpu.memory_space<hbm>> -> memref<1x125x80xi32, #tpu.memory_space<hbm>>
      %dma_wait3A_23 = tpu.memref_squeeze %dma_wait3A_22 : memref<1x125x80xi32, #tpu.memory_space<hbm>> -> memref<125x80xi32, #tpu.memory_space<hbm>>
      tpu.wait_dma2 semaphore(%run_scoped3A : memref<!tpu.dma_semaphore, #tpu.memory_space<semaphore_mem>>) src(%dma_wait3A_23 : memref<125x80xi32, #tpu.memory_space<hbm>>) dst(%arg8 : memref<125x80xi32, #tpu.memory_space<vmem>>)
      tpu.yield
    }) : () -> ()
    %mul3A_1 = arith.constant 640 : i32
    %mul3A_2 = arith.muli %arg1, %mul3A_1 : i32
    %eq3A = arith.constant 15 : i32
    %eq3A_3 = arith.cmpi eq, %arg1, %eq3A : i32
    %jit3A = arith.constant 400 : i32
    %jit3A_4 = arith.constant 640 : i32
    %select_n3A = arith.select %eq3A_3, %jit3A, %jit3A_4 : i32
    "tpu.region"() ({
      %run_scoped3A = tpu.sem_alloc : memref<!tpu.dma_semaphore, #tpu.memory_space<semaphore_mem>>
      %dma_start3A = arith.constant 0 : i32
      %dma_start3A_10 = tpu.memref_slice %arg10[%mul3A_2, %dma_start3A] <%select_n3A> : memref<10000x64xf32, #tpu.memory_space<vmem_shared>> -> memref<?x64xf32, #tpu.memory_space<vmem_shared>>
      %dma_start3A_11 = arith.constant 0 : i32
      %dma_start3A_12 = arith.constant 0 : i32
      %dma_start3A_13 = tpu.memref_slice %arg5[%dma_start3A_11, %dma_start3A_12] <%select_n3A> : memref<640x64xf32, #tpu.memory_space<hbm>> -> memref<?x64xf32, #tpu.memory_space<hbm>>
      tpu.enqueue_dma source(%dma_start3A_13 : memref<?x64xf32, #tpu.memory_space<hbm>>) target(%dma_start3A_10 : memref<?x64xf32, #tpu.memory_space<vmem_shared>>) target_semaphore(%run_scoped3A : memref<!tpu.dma_semaphore, #tpu.memory_space<semaphore_mem>>)
      %dma_wait3A = arith.constant 0 : i32
      %dma_wait3A_14 = tpu.memref_slice %arg10[%mul3A_2, %dma_wait3A] <%select_n3A> : memref<10000x64xf32, #tpu.memory_space<vmem_shared>> -> memref<?x64xf32, #tpu.memory_space<vmem_shared>>
      %dma_wait3A_15 = arith.constant 0 : i32
      %dma_wait3A_16 = arith.constant 0 : i32
      %dma_wait3A_17 = tpu.memref_slice %arg5[%dma_wait3A_15, %dma_wait3A_16] <%select_n3A> : memref<640x64xf32, #tpu.memory_space<hbm>> -> memref<?x64xf32, #tpu.memory_space<hbm>>
      tpu.wait_dma2 semaphore(%run_scoped3A : memref<!tpu.dma_semaphore, #tpu.memory_space<semaphore_mem>>) src(%dma_wait3A_17 : memref<?x64xf32, #tpu.memory_space<hbm>>) dst(%dma_wait3A_14 : memref<?x64xf32, #tpu.memory_space<vmem_shared>>)
      tpu.yield
    }) : () -> ()
    %barrier3A = arith.constant 0 : index
    tpu.barrier barrier_id(%barrier3A)
    %scan3A = arith.constant 0 : i32
    %scan3A_5 = arith.constant 125 : i32
    %scan3A_6 = arith.addi %scan3A, %scan3A_5 : i32
    %scan3A_7 = arith.constant 1 : i32
    scf.for %scan3A_10 = %scan3A to %scan3A_6 step %scan3A_7  : i32 {
      %mul3A_11 = arith.constant 1 : i32
      %mul3A_12 = arith.muli %scan3A_10, %mul3A_11 : i32
      %add3A_13 = arith.constant 0 : i32
      %add3A_14 = arith.addi %add3A_13, %mul3A_12 : i32
      %dma_start3A = arith.constant 0 : i32
      %dma_start3A_15 = tpu.memref_slice %arg7[%add3A_14, %dma_start3A] : memref<125x80xi32, #tpu.memory_space<vmem>> -> memref<1x80xi32, #tpu.memory_space<vmem>>
      %dma_start3A_16 = tpu.memref_squeeze %dma_start3A_15 : memref<1x80xi32, #tpu.memory_space<vmem>> -> memref<80xi32, #tpu.memory_space<vmem>>
      %dma_start3A_17 = arith.constant 0 : i32
      %dma_start3A_18 = arith.constant 0 : i32
      %dma_start3A_19 = tpu.memref_slice %arg2[%dma_start3A_17, %dma_start3A_18] : memref<10000x64xf32, #tpu.memory_space<hbm>> -> memref<10000x64xf32, #tpu.memory_space<hbm>>
      tpu.enqueue_indirect_dma source(%dma_start3A_19 : memref<10000x64xf32, #tpu.memory_space<hbm>>) target(%arg9 : memref<80x64xf32, #tpu.memory_space<vmem>>) offsets(%dma_start3A_16 : memref<80xi32, #tpu.memory_space<vmem>>) semaphore(%arg11 : memref<!tpu.dma_semaphore, #tpu.memory_space<semaphore_mem>>)
      %dma_wait3A = arith.constant 0 : i32
      %dma_wait3A_20 = tpu.memref_slice %arg7[%add3A_14, %dma_wait3A] : memref<125x80xi32, #tpu.memory_space<vmem>> -> memref<1x80xi32, #tpu.memory_space<vmem>>
      %dma_wait3A_21 = tpu.memref_squeeze %dma_wait3A_20 : memref<1x80xi32, #tpu.memory_space<vmem>> -> memref<80xi32, #tpu.memory_space<vmem>>
      %dma_wait3A_22 = arith.constant 0 : i32
      %dma_wait3A_23 = arith.constant 0 : i32
      %dma_wait3A_24 = tpu.memref_slice %arg2[%dma_wait3A_22, %dma_wait3A_23] : memref<10000x64xf32, #tpu.memory_space<hbm>> -> memref<10000x64xf32, #tpu.memory_space<hbm>>
      tpu.wait_indirect_dma semaphore(%arg11 : memref<!tpu.dma_semaphore, #tpu.memory_space<semaphore_mem>>) src(%dma_wait3A_24 : memref<10000x64xf32, #tpu.memory_space<hbm>>) dst(%arg9 : memref<80x64xf32, #tpu.memory_space<vmem>>)
      "tpu.region"() ({
        %run_scoped3A = tpu.sem_alloc : memref<!tpu.dma_semaphore, #tpu.memory_space<semaphore_mem>>
        %dma_start3A_25 = arith.constant 0 : i32
        %dma_start3A_26 = tpu.memref_slice %arg8[%add3A_14, %dma_start3A_25] : memref<125x80xi32, #tpu.memory_space<vmem>> -> memref<1x80xi32, #tpu.memory_space<vmem>>
        %dma_start3A_27 = tpu.memref_squeeze %dma_start3A_26 : memref<1x80xi32, #tpu.memory_space<vmem>> -> memref<80xi32, #tpu.memory_space<vmem>>
        %dma_start3A_28 = arith.constant 0 : i32
        %dma_start3A_29 = arith.constant 0 : i32
        %dma_start3A_30 = tpu.memref_slice %arg10[%dma_start3A_28, %dma_start3A_29] : memref<10000x64xf32, #tpu.memory_space<vmem_shared>> -> memref<10000x64xf32, #tpu.memory_space<vmem_shared>>
        tpu.enqueue_indirect_dma source(%arg9 : memref<80x64xf32, #tpu.memory_space<vmem>>) target(%dma_start3A_30 : memref<10000x64xf32, #tpu.memory_space<vmem_shared>>) offsets(%dma_start3A_27 : memref<80xi32, #tpu.memory_space<vmem>>) semaphore(%run_scoped3A : memref<!tpu.dma_semaphore, #tpu.memory_space<semaphore_mem>>) {add = true}
        %dma_wait3A_31 = arith.constant 0 : i32
        %dma_wait3A_32 = tpu.memref_slice %arg8[%add3A_14, %dma_wait3A_31] : memref<125x80xi32, #tpu.memory_space<vmem>> -> memref<1x80xi32, #tpu.memory_space<vmem>>
        %dma_wait3A_33 = tpu.memref_squeeze %dma_wait3A_32 : memref<1x80xi32, #tpu.memory_space<vmem>> -> memref<80xi32, #tpu.memory_space<vmem>>
        %dma_wait3A_34 = arith.constant 0 : i32
        %dma_wait3A_35 = arith.constant 0 : i32
        %dma_wait3A_36 = tpu.memref_slice %arg10[%dma_wait3A_34, %dma_wait3A_35] : memref<10000x64xf32, #tpu.memory_space<vmem_shared>> -> memref<10000x64xf32, #tpu.memory_space<vmem_shared>>
        tpu.wait_indirect_dma semaphore(%run_scoped3A : memref<!tpu.dma_semaphore, #tpu.memory_space<semaphore_mem>>) src(%arg9 : memref<80x64xf32, #tpu.memory_space<vmem>>) dst(%dma_wait3A_36 : memref<10000x64xf32, #tpu.memory_space<vmem_shared>>)
        tpu.yield
      }) : () -> ()
    }
    %scan3A_8 = arith.constant 125 : i32
    %barrier3A_9 = arith.constant 0 : index
    tpu.barrier barrier_id(%barrier3A_9)
    "tpu.region"() ({
      %run_scoped3A = tpu.sem_alloc : memref<!tpu.dma_semaphore, #tpu.memory_space<semaphore_mem>>
      %dma_start3A = arith.constant 0 : i32
      %dma_start3A_10 = tpu.memref_slice %arg6[%arg0, %mul3A_2, %dma_start3A] <%select_n3A> : memref<2x10000x64xf32, #tpu.memory_space<hbm>> -> memref<1x?x64xf32, #tpu.memory_space<hbm>>
      %dma_start3A_11 = tpu.memref_squeeze %dma_start3A_10 : memref<1x?x64xf32, #tpu.memory_space<hbm>> -> memref<?x64xf32, #tpu.memory_space<hbm>>
      %dma_start3A_12 = arith.constant 0 : i32
      %dma_start3A_13 = tpu.memref_slice %arg10[%mul3A_2, %dma_start3A_12] <%select_n3A> : memref<10000x64xf32, #tpu.memory_space<vmem_shared>> -> memref<?x64xf32, #tpu.memory_space<vmem_shared>>
      tpu.enqueue_dma source(%dma_start3A_13 : memref<?x64xf32, #tpu.memory_space<vmem_shared>>) target(%dma_start3A_11 : memref<?x64xf32, #tpu.memory_space<hbm>>) target_semaphore(%run_scoped3A : memref<!tpu.dma_semaphore, #tpu.memory_space<semaphore_mem>>)
      %dma_wait3A = arith.constant 0 : i32
      %dma_wait3A_14 = tpu.memref_slice %arg6[%arg0, %mul3A_2, %dma_wait3A] <%select_n3A> : memref<2x10000x64xf32, #tpu.memory_space<hbm>> -> memref<1x?x64xf32, #tpu.memory_space<hbm>>
      %dma_wait3A_15 = tpu.memref_squeeze %dma_wait3A_14 : memref<1x?x64xf32, #tpu.memory_space<hbm>> -> memref<?x64xf32, #tpu.memory_space<hbm>>
      %dma_wait3A_16 = arith.constant 0 : i32
      %dma_wait3A_17 = tpu.memref_slice %arg10[%mul3A_2, %dma_wait3A_16] <%select_n3A> : memref<10000x64xf32, #tpu.memory_space<vmem_shared>> -> memref<?x64xf32, #tpu.memory_space<vmem_shared>>
      tpu.wait_dma2 semaphore(%run_scoped3A : memref<!tpu.dma_semaphore, #tpu.memory_space<semaphore_mem>>) src(%dma_wait3A_17 : memref<?x64xf32, #tpu.memory_space<vmem_shared>>) dst(%dma_wait3A_15 : memref<?x64xf32, #tpu.memory_space<hbm>>)
      tpu.yield
    }) : () -> ()
    return
  }
}

module attributes {stable_mosaic.version = 14 : i64} {
  func.func @_mm_body(%arg0: i32, %arg1: memref<1000x128xf32, #tpu.memory_space<vmem>>, %arg2: memref<128x64xf32, #tpu.memory_space<vmem>>, %arg3: memref<1000x64xf32, #tpu.memory_space<vmem>>) attributes {dimension_semantics = [#tpu.dimension_semantics<arbitrary>], iteration_bounds = array<i64: 10>, scalar_prefetch = 0 : i64, scratch_operands = 0 : i64, tpu.core_type = #tpu.core_type<tc>, window_params = [{transform_indices = @transform_0, window_bounds = array<i64: 1000, 128>}, {pipeline_mode = #tpu.pipeline_mode<synchronous>, transform_indices = @transform_1, window_bounds = array<i64: 128, 64>}, {transform_indices = @transform_2, window_bounds = array<i64: 1000, 64>}]} {
    %get3A = arith.constant 0 : index
    %get3A_0 = arith.constant 0 : index
    %get3A_1 = vector.load %arg1[%get3A, %get3A_0] : memref<1000x128xf32, #tpu.memory_space<vmem>>, vector<1000x128xf32>
    %get3A_2 = arith.constant 0 : index
    %get3A_3 = arith.constant 0 : index
    %get3A_4 = vector.load %arg2[%get3A_2, %get3A_3] : memref<128x64xf32, #tpu.memory_space<vmem>>, vector<128x64xf32>
    %dot_general3A = arith.constant dense<0.000000e+00> : vector<1000x64xf32>
    %dot_general3A_5 = tpu.matmul %get3A_1, %get3A_4, %dot_general3A {dimension_numbers = #tpu.dot_dimension_numbers<[1], [0], [0], [1], [0, 0, 1, 1], [], []>, transpose_lhs_hint = false} : vector<1000x128xf32>, vector<128x64xf32>, vector<1000x64xf32> -> vector<1000x64xf32>
    %swap3A = arith.constant 0 : index
    %swap3A_6 = arith.constant 0 : index
    %swap3A_7 = vector.load %arg3[%swap3A, %swap3A_6] : memref<1000x64xf32, #tpu.memory_space<vmem>>, vector<1000x64xf32>
    tpu.vector_store %arg3[%swap3A, %swap3A_6], %dot_general3A_5 {strides = array<i32>} : memref<1000x64xf32, #tpu.memory_space<vmem>>, vector<1000x64xf32>,
    return
  }
  func.func @transform_0(%arg0: i32) -> (i32, i32) {
    %c0_i32 = arith.constant 0 : i32
    %c0_i32_0 = arith.constant 0 : i32
    return %arg0, %c0_i32 : i32, i32
  }
  func.func @transform_1(%arg0: i32) -> (i32, i32) {
    %c0_i32 = arith.constant 0 : i32
    %c0_i32_0 = arith.constant 0 : i32
    %c0_i32_1 = arith.constant 0 : i32
    return %c0_i32, %c0_i32_0 : i32, i32
  }
  func.func @transform_2(%arg0: i32) -> (i32, i32) {
    %c0_i32 = arith.constant 0 : i32
    %c0_i32_0 = arith.constant 0 : i32
    return %arg0, %c0_i32 : i32, i32
  }
}

module attributes {stable_mosaic.version = 14 : i64} {
  func.func @_gin_fused_body(%arg0: i32, %arg1: memref<1000x64xf32, #tpu.memory_space<vmem>>, %arg2: memref<1000x64xf32, #tpu.memory_space<vmem>>, %arg3: memref<1000x64xf32, #tpu.memory_space<vmem>>, %arg4: memref<1x64xf32, #tpu.memory_space<vmem>>, %arg5: memref<64x64xf32, #tpu.memory_space<vmem>>, %arg6: memref<1x64xf32, #tpu.memory_space<vmem>>, %arg7: memref<64x64xf32, #tpu.memory_space<vmem>>, %arg8: memref<1000x64xf32, #tpu.memory_space<vmem>>) attributes {dimension_semantics = [#tpu.dimension_semantics<arbitrary>], iteration_bounds = array<i64: 10>, scalar_prefetch = 0 : i64, scratch_operands = 0 : i64, tpu.core_type = #tpu.core_type<tc>, window_params = [{transform_indices = @transform_0, window_bounds = array<i64: 1000, 64>}, {transform_indices = @transform_1, window_bounds = array<i64: 1000, 64>}, {transform_indices = @transform_2, window_bounds = array<i64: 1000, 64>}, {pipeline_mode = #tpu.pipeline_mode<synchronous>, transform_indices = @transform_3, window_bounds = array<i64: 1, 64>}, {pipeline_mode = #tpu.pipeline_mode<synchronous>, transform_indices = @transform_4, window_bounds = array<i64: 64, 64>}, {pipeline_mode = #tpu.pipeline_mode<synchronous>, transform_indices = @transform_5, window_bounds = array<i64: 1, 64>}, {pipeline_mode = #tpu.pipeline_mode<synchronous>, transform_indices = @transform_6, window_bounds = array<i64: 64, 64>}, {transform_indices = @transform_7, window_bounds = array<i64: 1000, 64>}]} {
    %get3A = arith.constant 0 : index
    %get3A_0 = arith.constant 0 : index
    %get3A_1 = vector.load %arg1[%get3A, %get3A_0] : memref<1000x64xf32, #tpu.memory_space<vmem>>, vector<1000x64xf32>
    %get3A_2 = arith.constant 0 : index
    %get3A_3 = arith.constant 0 : index
    %get3A_4 = vector.load %arg2[%get3A_2, %get3A_3] : memref<1000x64xf32, #tpu.memory_space<vmem>>, vector<1000x64xf32>
    %add3A = arith.addf %get3A_1, %get3A_4 : vector<1000x64xf32>
    %get3A_5 = arith.constant 0 : index
    %get3A_6 = arith.constant 0 : index
    %get3A_7 = vector.load %arg3[%get3A_5, %get3A_6] : memref<1000x64xf32, #tpu.memory_space<vmem>>, vector<1000x64xf32>
    %add3A_8 = arith.addf %add3A, %get3A_7 : vector<1000x64xf32>
    %get3A_9 = arith.constant 0 : index
    %get3A_10 = arith.constant 0 : index
    %get3A_11 = vector.load %arg4[%get3A_9, %get3A_10] : memref<1x64xf32, #tpu.memory_space<vmem>>, vector<1x64xf32>
    %add3A_12 = vector.broadcast %get3A_11 : vector<1x64xf32> to vector<1000x64xf32>
    %add3A_13 = arith.addf %add3A_8, %add3A_12 : vector<1000x64xf32>
    %max3A = arith.constant 0.000000e+00 : f32
    %max3A_14 = vector.broadcast %max3A : f32 to vector<1000x64xf32>
    %max3A_15 = arith.maximumf %add3A_13, %max3A_14 : vector<1000x64xf32>
    %get3A_16 = arith.constant 0 : index
    %get3A_17 = arith.constant 0 : index
    %get3A_18 = vector.load %arg5[%get3A_16, %get3A_17] : memref<64x64xf32, #tpu.memory_space<vmem>>, vector<64x64xf32>
    %dot_general3A = arith.constant dense<0.000000e+00> : vector<1000x64xf32>
    %dot_general3A_19 = tpu.matmul %max3A_15, %get3A_18, %dot_general3A {dimension_numbers = #tpu.dot_dimension_numbers<[1], [0], [0], [1], [0, 0, 1, 1], [], []>, transpose_lhs_hint = false} : vector<1000x64xf32>, vector<64x64xf32>, vector<1000x64xf32> -> vector<1000x64xf32>
    %get3A_20 = arith.constant 0 : index
    %get3A_21 = arith.constant 0 : index
    %get3A_22 = vector.load %arg6[%get3A_20, %get3A_21] : memref<1x64xf32, #tpu.memory_space<vmem>>, vector<1x64xf32>
    %add3A_23 = vector.broadcast %get3A_22 : vector<1x64xf32> to vector<1000x64xf32>
    %add3A_24 = arith.addf %dot_general3A_19, %add3A_23 : vector<1000x64xf32>
    %max3A_25 = arith.constant 0.000000e+00 : f32
    %max3A_26 = vector.broadcast %max3A_25 : f32 to vector<1000x64xf32>
    %max3A_27 = arith.maximumf %add3A_24, %max3A_26 : vector<1000x64xf32>
    %get3A_28 = arith.constant 0 : index
    %get3A_29 = arith.constant 0 : index
    %get3A_30 = vector.load %arg7[%get3A_28, %get3A_29] : memref<64x64xf32, #tpu.memory_space<vmem>>, vector<64x64xf32>
    %dot_general3A_31 = arith.constant dense<0.000000e+00> : vector<1000x64xf32>
    %dot_general3A_32 = tpu.matmul %max3A_27, %get3A_30, %dot_general3A_31 {dimension_numbers = #tpu.dot_dimension_numbers<[1], [0], [0], [1], [0, 0, 1, 1], [], []>, transpose_lhs_hint = false} : vector<1000x64xf32>, vector<64x64xf32>, vector<1000x64xf32> -> vector<1000x64xf32>
    %swap3A = arith.constant 0 : index
    %swap3A_33 = arith.constant 0 : index
    %swap3A_34 = vector.load %arg8[%swap3A, %swap3A_33] : memref<1000x64xf32, #tpu.memory_space<vmem>>, vector<1000x64xf32>
    tpu.vector_store %arg8[%swap3A, %swap3A_33], %dot_general3A_32 {strides = array<i32>} : memref<1000x64xf32, #tpu.memory_space<vmem>>, vector<1000x64xf32>,
    return
  }
  func.func @transform_0(%arg0: i32) -> (i32, i32) {
    %c0_i32 = arith.constant 0 : i32
    %c0_i32_0 = arith.constant 0 : i32
    return %arg0, %c0_i32 : i32, i32
  }
  func.func @transform_1(%arg0: i32) -> (i32, i32) {
    %c0_i32 = arith.constant 0 : i32
    %c0_i32_0 = arith.constant 0 : i32
    return %arg0, %c0_i32 : i32, i32
  }
  func.func @transform_2(%arg0: i32) -> (i32, i32) {
    %c0_i32 = arith.constant 0 : i32
    %c0_i32_0 = arith.constant 0 : i32
    return %arg0, %c0_i32 : i32, i32
  }
  func.func @transform_3(%arg0: i32) -> (i32, i32) {
    %c0_i32 = arith.constant 0 : i32
    %c0_i32_0 = arith.constant 0 : i32
    %c0_i32_1 = arith.constant 0 : i32
    return %c0_i32, %c0_i32_0 : i32, i32
  }
  func.func @transform_4(%arg0: i32) -> (i32, i32) {
    %c0_i32 = arith.constant 0 : i32
    %c0_i32_0 = arith.constant 0 : i32
    %c0_i32_1 = arith.constant 0 : i32
    return %c0_i32, %c0_i32_0 : i32, i32
  }
  func.func @transform_5(%arg0: i32) -> (i32, i32) {
    %c0_i32 = arith.constant 0 : i32
    %c0_i32_0 = arith.constant 0 : i32
    %c0_i32_1 = arith.constant 0 : i32
    return %c0_i32, %c0_i32_0 : i32, i32
  }
  func.func @transform_6(%arg0: i32) -> (i32, i32) {
    %c0_i32 = arith.constant 0 : i32
    %c0_i32_0 = arith.constant 0 : i32
    %c0_i32_1 = arith.constant 0 : i32
    return %c0_i32, %c0_i32_0 : i32, i32
  }
  func.func @transform_7(%arg0: i32) -> (i32, i32) {
    %c0_i32 = arith.constant 0 : i32
    %c0_i32_0 = arith.constant 0 : i32
    return %arg0, %c0_i32 : i32, i32
  }
}

module attributes {stable_mosaic.version = 14 : i64} {
  func.func @_gin_tail_body(%arg0: i32, %arg1: memref<1000x64xf32, #tpu.memory_space<vmem>>, %arg2: memref<1000x64xf32, #tpu.memory_space<vmem>>, %arg3: memref<1000x64xf32, #tpu.memory_space<vmem>>, %arg4: memref<1x64xf32, #tpu.memory_space<vmem>>, %arg5: memref<64x64xf32, #tpu.memory_space<vmem>>, %arg6: memref<1x64xf32, #tpu.memory_space<vmem>>, %arg7: memref<1000x64xf32, #tpu.memory_space<vmem>>) attributes {dimension_semantics = [#tpu.dimension_semantics<arbitrary>], iteration_bounds = array<i64: 10>, scalar_prefetch = 0 : i64, scratch_operands = 0 : i64, tpu.core_type = #tpu.core_type<tc>, window_params = [{transform_indices = @transform_0, window_bounds = array<i64: 1000, 64>}, {transform_indices = @transform_1, window_bounds = array<i64: 1000, 64>}, {transform_indices = @transform_2, window_bounds = array<i64: 1000, 64>}, {pipeline_mode = #tpu.pipeline_mode<synchronous>, transform_indices = @transform_3, window_bounds = array<i64: 1, 64>}, {pipeline_mode = #tpu.pipeline_mode<synchronous>, transform_indices = @transform_4, window_bounds = array<i64: 64, 64>}, {pipeline_mode = #tpu.pipeline_mode<synchronous>, transform_indices = @transform_5, window_bounds = array<i64: 1, 64>}, {transform_indices = @transform_6, window_bounds = array<i64: 1000, 64>}]} {
    %get3A = arith.constant 0 : index
    %get3A_0 = arith.constant 0 : index
    %get3A_1 = vector.load %arg1[%get3A, %get3A_0] : memref<1000x64xf32, #tpu.memory_space<vmem>>, vector<1000x64xf32>
    %get3A_2 = arith.constant 0 : index
    %get3A_3 = arith.constant 0 : index
    %get3A_4 = vector.load %arg2[%get3A_2, %get3A_3] : memref<1000x64xf32, #tpu.memory_space<vmem>>, vector<1000x64xf32>
    %add3A = arith.addf %get3A_1, %get3A_4 : vector<1000x64xf32>
    %get3A_5 = arith.constant 0 : index
    %get3A_6 = arith.constant 0 : index
    %get3A_7 = vector.load %arg3[%get3A_5, %get3A_6] : memref<1000x64xf32, #tpu.memory_space<vmem>>, vector<1000x64xf32>
    %add3A_8 = arith.addf %add3A, %get3A_7 : vector<1000x64xf32>
    %get3A_9 = arith.constant 0 : index
    %get3A_10 = arith.constant 0 : index
    %get3A_11 = vector.load %arg4[%get3A_9, %get3A_10] : memref<1x64xf32, #tpu.memory_space<vmem>>, vector<1x64xf32>
    %add3A_12 = vector.broadcast %get3A_11 : vector<1x64xf32> to vector<1000x64xf32>
    %add3A_13 = arith.addf %add3A_8, %add3A_12 : vector<1000x64xf32>
    %max3A = arith.constant 0.000000e+00 : f32
    %max3A_14 = vector.broadcast %max3A : f32 to vector<1000x64xf32>
    %max3A_15 = arith.maximumf %add3A_13, %max3A_14 : vector<1000x64xf32>
    %get3A_16 = arith.constant 0 : index
    %get3A_17 = arith.constant 0 : index
    %get3A_18 = vector.load %arg5[%get3A_16, %get3A_17] : memref<64x64xf32, #tpu.memory_space<vmem>>, vector<64x64xf32>
    %dot_general3A = arith.constant dense<0.000000e+00> : vector<1000x64xf32>
    %dot_general3A_19 = tpu.matmul %max3A_15, %get3A_18, %dot_general3A {dimension_numbers = #tpu.dot_dimension_numbers<[1], [0], [0], [1], [0, 0, 1, 1], [], []>, transpose_lhs_hint = false} : vector<1000x64xf32>, vector<64x64xf32>, vector<1000x64xf32> -> vector<1000x64xf32>
    %get3A_20 = arith.constant 0 : index
    %get3A_21 = arith.constant 0 : index
    %get3A_22 = vector.load %arg6[%get3A_20, %get3A_21] : memref<1x64xf32, #tpu.memory_space<vmem>>, vector<1x64xf32>
    %add3A_23 = vector.broadcast %get3A_22 : vector<1x64xf32> to vector<1000x64xf32>
    %add3A_24 = arith.addf %dot_general3A_19, %add3A_23 : vector<1000x64xf32>
    %max3A_25 = arith.constant 0.000000e+00 : f32
    %max3A_26 = vector.broadcast %max3A_25 : f32 to vector<1000x64xf32>
    %max3A_27 = arith.maximumf %add3A_24, %max3A_26 : vector<1000x64xf32>
    %swap3A = arith.constant 0 : index
    %swap3A_28 = arith.constant 0 : index
    %swap3A_29 = vector.load %arg7[%swap3A, %swap3A_28] : memref<1000x64xf32, #tpu.memory_space<vmem>>, vector<1000x64xf32>
    tpu.vector_store %arg7[%swap3A, %swap3A_28], %max3A_27 {strides = array<i32>} : memref<1000x64xf32, #tpu.memory_space<vmem>>, vector<1000x64xf32>,
    return
  }
  func.func @transform_0(%arg0: i32) -> (i32, i32) {
    %c0_i32 = arith.constant 0 : i32
    %c0_i32_0 = arith.constant 0 : i32
    return %arg0, %c0_i32 : i32, i32
  }
  func.func @transform_1(%arg0: i32) -> (i32, i32) {
    %c0_i32 = arith.constant 0 : i32
    %c0_i32_0 = arith.constant 0 : i32
    return %arg0, %c0_i32 : i32, i32
  }
  func.func @transform_2(%arg0: i32) -> (i32, i32) {
    %c0_i32 = arith.constant 0 : i32
    %c0_i32_0 = arith.constant 0 : i32
    return %arg0, %c0_i32 : i32, i32
  }
  func.func @transform_3(%arg0: i32) -> (i32, i32) {
    %c0_i32 = arith.constant 0 : i32
    %c0_i32_0 = arith.constant 0 : i32
    %c0_i32_1 = arith.constant 0 : i32
    return %c0_i32, %c0_i32_0 : i32, i32
  }
  func.func @transform_4(%arg0: i32) -> (i32, i32) {
    %c0_i32 = arith.constant 0 : i32
    %c0_i32_0 = arith.constant 0 : i32
    %c0_i32_1 = arith.constant 0 : i32
    return %c0_i32, %c0_i32_0 : i32, i32
  }
  func.func @transform_5(%arg0: i32) -> (i32, i32) {
    %c0_i32 = arith.constant 0 : i32
    %c0_i32_0 = arith.constant 0 : i32
    %c0_i32_1 = arith.constant 0 : i32
    return %c0_i32, %c0_i32_0 : i32, i32
  }
  func.func @transform_6(%arg0: i32) -> (i32, i32) {
    %c0_i32 = arith.constant 0 : i32
    %c0_i32_0 = arith.constant 0 : i32
    return %arg0, %c0_i32 : i32, i32
  }
}

module attributes {stable_mosaic.version = 14 : i64} {
  func.func @_edge_head_body(%arg0: i32, %arg1: memref<512x64xf32, #tpu.memory_space<vmem>>, %arg2: memref<512x64xf32, #tpu.memory_space<vmem>>, %arg3: memref<64x64xf32, #tpu.memory_space<vmem>>, %arg4: memref<64x64xf32, #tpu.memory_space<vmem>>, %arg5: memref<64x64xf32, #tpu.memory_space<vmem>>, %arg6: memref<1x64xf32, #tpu.memory_space<vmem>>, %arg7: memref<64x1xf32, #tpu.memory_space<vmem>>, %arg8: memref<1x1xf32, #tpu.memory_space<vmem>>, %arg9: memref<512xf32, #tpu.memory_space<vmem>>) attributes {dimension_semantics = [#tpu.dimension_semantics<arbitrary>], iteration_bounds = array<i64: 625>, scalar_prefetch = 0 : i64, scratch_operands = 0 : i64, tpu.core_type = #tpu.core_type<tc>, window_params = [{transform_indices = @transform_0, window_bounds = array<i64: 512, 64>}, {transform_indices = @transform_1, window_bounds = array<i64: 512, 64>}, {pipeline_mode = #tpu.pipeline_mode<synchronous>, transform_indices = @transform_2, window_bounds = array<i64: 64, 64>}, {pipeline_mode = #tpu.pipeline_mode<synchronous>, transform_indices = @transform_3, window_bounds = array<i64: 64, 64>}, {pipeline_mode = #tpu.pipeline_mode<synchronous>, transform_indices = @transform_4, window_bounds = array<i64: 64, 64>}, {pipeline_mode = #tpu.pipeline_mode<synchronous>, transform_indices = @transform_5, window_bounds = array<i64: 1, 64>}, {pipeline_mode = #tpu.pipeline_mode<synchronous>, transform_indices = @transform_6, window_bounds = array<i64: 64, 1>}, {pipeline_mode = #tpu.pipeline_mode<synchronous>, transform_indices = @transform_7, window_bounds = array<i64: 1, 1>}, {transform_indices = @transform_8, window_bounds = array<i64: 512>}]} {
    %get3A = arith.constant 0 : index
    %get3A_0 = arith.constant 0 : index
    %get3A_1 = vector.load %arg1[%get3A, %get3A_0] : memref<512x64xf32, #tpu.memory_space<vmem>>, vector<512x64xf32>
    %get3A_2 = arith.constant 0 : index
    %get3A_3 = arith.constant 0 : index
    %get3A_4 = vector.load %arg2[%get3A_2, %get3A_3] : memref<512x64xf32, #tpu.memory_space<vmem>>, vector<512x64xf32>
    %get3A_5 = arith.constant 0 : index
    %get3A_6 = arith.constant 0 : index
    %get3A_7 = vector.load %arg3[%get3A_5, %get3A_6] : memref<64x64xf32, #tpu.memory_space<vmem>>, vector<64x64xf32>
    %dot_general3A = arith.constant dense<0.000000e+00> : vector<512x64xf32>
    %dot_general3A_8 = tpu.matmul %get3A_1, %get3A_7, %dot_general3A {dimension_numbers = #tpu.dot_dimension_numbers<[1], [0], [0], [1], [0, 0, 1, 1], [], []>, transpose_lhs_hint = false} : vector<512x64xf32>, vector<64x64xf32>, vector<512x64xf32> -> vector<512x64xf32>
    %get3A_9 = arith.constant 0 : index
    %get3A_10 = arith.constant 0 : index
    %get3A_11 = vector.load %arg4[%get3A_9, %get3A_10] : memref<64x64xf32, #tpu.memory_space<vmem>>, vector<64x64xf32>
    %dot_general3A_12 = arith.constant dense<0.000000e+00> : vector<512x64xf32>
    %dot_general3A_13 = tpu.matmul %get3A_4, %get3A_11, %dot_general3A_12 {dimension_numbers = #tpu.dot_dimension_numbers<[1], [0], [0], [1], [0, 0, 1, 1], [], []>, transpose_lhs_hint = false} : vector<512x64xf32>, vector<64x64xf32>, vector<512x64xf32> -> vector<512x64xf32>
    %add3A = arith.addf %dot_general3A_8, %dot_general3A_13 : vector<512x64xf32>
    %sub3A = arith.subf %get3A_1, %get3A_4 : vector<512x64xf32>
    %abs3A = math.absf %sub3A : vector<512x64xf32>
    %get3A_14 = arith.constant 0 : index
    %get3A_15 = arith.constant 0 : index
    %get3A_16 = vector.load %arg5[%get3A_14, %get3A_15] : memref<64x64xf32, #tpu.memory_space<vmem>>, vector<64x64xf32>
    %dot_general3A_17 = arith.constant dense<0.000000e+00> : vector<512x64xf32>
    %dot_general3A_18 = tpu.matmul %abs3A, %get3A_16, %dot_general3A_17 {dimension_numbers = #tpu.dot_dimension_numbers<[1], [0], [0], [1], [0, 0, 1, 1], [], []>, transpose_lhs_hint = false} : vector<512x64xf32>, vector<64x64xf32>, vector<512x64xf32> -> vector<512x64xf32>
    %add3A_19 = arith.addf %add3A, %dot_general3A_18 : vector<512x64xf32>
    %get3A_20 = arith.constant 0 : index
    %get3A_21 = arith.constant 0 : index
    %get3A_22 = vector.load %arg6[%get3A_20, %get3A_21] : memref<1x64xf32, #tpu.memory_space<vmem>>, vector<1x64xf32>
    %add3A_23 = vector.broadcast %get3A_22 : vector<1x64xf32> to vector<512x64xf32>
    %add3A_24 = arith.addf %add3A_19, %add3A_23 : vector<512x64xf32>
    %max3A = arith.constant 0.000000e+00 : f32
    %max3A_25 = vector.broadcast %max3A : f32 to vector<512x64xf32>
    %max3A_26 = arith.maximumf %add3A_24, %max3A_25 : vector<512x64xf32>
    %get3A_27 = arith.constant 0 : index
    %get3A_28 = arith.constant 0 : index
    %get3A_29 = vector.load %arg7[%get3A_27, %get3A_28] : memref<64x1xf32, #tpu.memory_space<vmem>>, vector<64x1xf32>
    %dot_general3A_30 = arith.constant dense<0.000000e+00> : vector<512x1xf32>
    %dot_general3A_31 = tpu.matmul %max3A_26, %get3A_29, %dot_general3A_30 {dimension_numbers = #tpu.dot_dimension_numbers<[1], [0], [0], [1], [0, 0, 1, 1], [], []>, transpose_lhs_hint = false} : vector<512x64xf32>, vector<64x1xf32>, vector<512x1xf32> -> vector<512x1xf32>
    %get3A_32 = arith.constant 0 : index
    %get3A_33 = arith.constant 0 : index
    %get3A_34 = vector.load %arg8[%get3A_32, %get3A_33] : memref<1x1xf32, #tpu.memory_space<vmem>>, vector<1x1xf32>
    %add3A_35 = vector.broadcast %get3A_34 : vector<1x1xf32> to vector<512x1xf32>
    %add3A_36 = arith.addf %dot_general3A_31, %add3A_35 : vector<512x1xf32>
    %neg3A = arith.constant 0.000000e+00 : f32
    %neg3A_37 = vector.broadcast %neg3A : f32 to vector<512x1xf32>
    %neg3A_38 = arith.subf %neg3A_37, %add3A_36 : vector<512x1xf32>
    %exp3A = math.exp %neg3A_38 : vector<512x1xf32>
    %add3A_39 = arith.constant 1.000000e+00 : f32
    %add3A_40 = vector.broadcast %add3A_39 : f32 to vector<512x1xf32>
    %add3A_41 = arith.addf %add3A_40, %exp3A : vector<512x1xf32>
    %div3A = arith.constant 1.000000e+00 : f32
    %div3A_42 = vector.broadcast %div3A : f32 to vector<512x1xf32>
    %div3A_43 = arith.divf %div3A_42, %add3A_41 : vector<512x1xf32>
    %reshape3A = vector.shape_cast %div3A_43 : vector<512x1xf32> to vector<512xf32>
    %swap3A = arith.constant 0 : index
    %swap3A_44 = vector.load %arg9[%swap3A] : memref<512xf32, #tpu.memory_space<vmem>>, vector<512xf32>
    tpu.vector_store %arg9[%swap3A], %reshape3A {strides = array<i32>} : memref<512xf32, #tpu.memory_space<vmem>>, vector<512xf32>,
    return
  }
  func.func @transform_0(%arg0: i32) -> (i32, i32) {
    %c0_i32 = arith.constant 0 : i32
    %c0_i32_0 = arith.constant 0 : i32
    return %arg0, %c0_i32 : i32, i32
  }
  func.func @transform_1(%arg0: i32) -> (i32, i32) {
    %c0_i32 = arith.constant 0 : i32
    %c0_i32_0 = arith.constant 0 : i32
    return %arg0, %c0_i32 : i32, i32
  }
  func.func @transform_2(%arg0: i32) -> (i32, i32) {
    %c0_i32 = arith.constant 0 : i32
    %c0_i32_0 = arith.constant 0 : i32
    %c0_i32_1 = arith.constant 0 : i32
    return %c0_i32, %c0_i32_0 : i32, i32
  }
  func.func @transform_3(%arg0: i32) -> (i32, i32) {
    %c0_i32 = arith.constant 0 : i32
    %c0_i32_0 = arith.constant 0 : i32
    %c0_i32_1 = arith.constant 0 : i32
    return %c0_i32, %c0_i32_0 : i32, i32
  }
  func.func @transform_4(%arg0: i32) -> (i32, i32) {
    %c0_i32 = arith.constant 0 : i32
    %c0_i32_0 = arith.constant 0 : i32
    %c0_i32_1 = arith.constant 0 : i32
    return %c0_i32, %c0_i32_0 : i32, i32
  }
  func.func @transform_5(%arg0: i32) -> (i32, i32) {
    %c0_i32 = arith.constant 0 : i32
    %c0_i32_0 = arith.constant 0 : i32
    %c0_i32_1 = arith.constant 0 : i32
    return %c0_i32, %c0_i32_0 : i32, i32
  }
  func.func @transform_6(%arg0: i32) -> (i32, i32) {
    %c0_i32 = arith.constant 0 : i32
    %c0_i32_0 = arith.constant 0 : i32
    %c0_i32_1 = arith.constant 0 : i32
    return %c0_i32, %c0_i32_0 : i32, i32
  }
  func.func @transform_7(%arg0: i32) -> (i32, i32) {
    %c0_i32 = arith.constant 0 : i32
    %c0_i32_0 = arith.constant 0 : i32
    %c0_i32_1 = arith.constant 0 : i32
    return %c0_i32, %c0_i32_0 : i32, i32
  }
  func.func @transform_8(%arg0: i32) -> i32 {
    %c0_i32 = arith.constant 0 : i32
    return %arg0 : i32
  }
}

module attributes {stable_mosaic.version = 14 : i64} {
  func.func @_pool_body(%arg0: i32, %arg1: memref<1000x64xf32, #tpu.memory_space<vmem>>, %arg2: memref<1000x1xf32, #tpu.memory_space<vmem>>, %arg3: memref<1000x1xf32, #tpu.memory_space<vmem>>, %arg4: memref<1x1x1000xi32, #tpu.memory_space<vmem>>, %arg5: memref<64x3xf32, #tpu.memory_space<vmem>>, %arg6: memref<1x3xf32, #tpu.memory_space<vmem>>, %arg7: memref<64x64xf32, #tpu.memory_space<vmem>>, %arg8: memref<64x3xf32, #tpu.memory_space<vmem>>, %arg9: memref<64x64xf32, #tpu.memory_space<vmem>>, %arg10: memref<64x1xf32, #tpu.memory_space<vmem>>) attributes {dimension_semantics = [#tpu.dimension_semantics<arbitrary>], iteration_bounds = array<i64: 10>, scalar_prefetch = 0 : i64, scratch_operands = 2 : i64, tpu.core_type = #tpu.core_type<tc>, window_params = [{transform_indices = @transform_0, window_bounds = array<i64: 1000, 64>}, {transform_indices = @transform_1, window_bounds = array<i64: 1000, 1>}, {transform_indices = @transform_2, window_bounds = array<i64: 1000, 1>}, {transform_indices = @transform_3, window_bounds = array<i64: 1, 1, 1000>}, {pipeline_mode = #tpu.pipeline_mode<synchronous>, transform_indices = @transform_4, window_bounds = array<i64: 64, 3>}, {pipeline_mode = #tpu.pipeline_mode<synchronous>, transform_indices = @transform_5, window_bounds = array<i64: 1, 3>}, {pipeline_mode = #tpu.pipeline_mode<synchronous>, transform_indices = @transform_6, window_bounds = array<i64: 64, 64>}, {pipeline_mode = #tpu.pipeline_mode<synchronous>, transform_indices = @transform_7, window_bounds = array<i64: 64, 3>}]} {
    %eq3A = arith.constant 0 : i32
    %eq3A_0 = arith.cmpi eq, %arg0, %eq3A : i32
    %convert_element_type3A = arith.extui %eq3A_0 : i1 to i32
    %cond3A = arith.constant 0 : i32
    %cond3A_1 = arith.cmpi ne, %convert_element_type3A, %cond3A : i32
    scf.if %cond3A_1 {
      %broadcast_in_dim3A = arith.constant 0.000000e+00 : f32
      %broadcast_in_dim3A_44 = vector.broadcast %broadcast_in_dim3A : f32 to vector<64x64xf32>
      %swap3A_45 = arith.constant 0 : index
      %swap3A_46 = arith.constant 0 : index
      %swap3A_47 = vector.load %arg9[%swap3A_45, %swap3A_46] : memref<64x64xf32, #tpu.memory_space<vmem>>, vector<64x64xf32>
      tpu.vector_store %arg9[%swap3A_45, %swap3A_46], %broadcast_in_dim3A_44 {strides = array<i32>} : memref<64x64xf32, #tpu.memory_space<vmem>>, vector<64x64xf32>,
      %broadcast_in_dim3A_48 = arith.constant 0.000000e+00 : f32
      %broadcast_in_dim3A_49 = vector.broadcast %broadcast_in_dim3A_48 : f32 to vector<64x1xf32>
      %swap3A_50 = arith.constant 0 : index
      %swap3A_51 = arith.constant 0 : index
      %swap3A_52 = vector.load %arg10[%swap3A_50, %swap3A_51] : memref<64x1xf32, #tpu.memory_space<vmem>>, vector<64x1xf32>
      tpu.vector_store %arg10[%swap3A_50, %swap3A_51], %broadcast_in_dim3A_49 {strides = array<i32>} : memref<64x1xf32, #tpu.memory_space<vmem>>, vector<64x1xf32>,
    } else {
    }
    %get3A = arith.constant 0 : index
    %get3A_2 = arith.constant 0 : index
    %get3A_3 = vector.load %arg2[%get3A, %get3A_2] : memref<1000x1xf32, #tpu.memory_space<vmem>>, vector<1000x1xf32>
    %get3A_4 = arith.constant 0 : index
    %get3A_5 = arith.constant 0 : index
    %get3A_6 = vector.load %arg3[%get3A_4, %get3A_5] : memref<1000x1xf32, #tpu.memory_space<vmem>>, vector<1000x1xf32>
    %add3A = arith.addf %get3A_3, %get3A_6 : vector<1000x1xf32>
    %add3A_7 = arith.constant 9.99999997E-7 : f32
    %add3A_8 = vector.broadcast %add3A_7 : f32 to vector<1000x1xf32>
    %add3A_9 = arith.addf %add3A, %add3A_8 : vector<1000x1xf32>
    %get3A_10 = arith.constant 0 : index
    %get3A_11 = arith.constant 0 : index
    %get3A_12 = arith.constant 0 : index
    %get3A_13 = vector.load %arg4[%get3A_10, %get3A_11, %get3A_12] : memref<1x1x1000xi32, #tpu.memory_space<vmem>>, vector<1x1x1000xi32>
    %get3A_14 = vector.shape_cast %get3A_13 : vector<1x1x1000xi32> to vector<1x1000xi32>
    %iota3A = tpu.iota {dimensions = array<i32: 0>} : vector<64x1000xi32>
    %eq3A_15 = vector.broadcast %get3A_14 : vector<1x1000xi32> to vector<64x1000xi32>
    %eq3A_16 = arith.cmpi eq, %iota3A, %eq3A_15 : vector<64x1000xi32>
    %convert_element_type3A_17 = arith.extui %eq3A_16 : vector<64x1000xi1> to vector<64x1000xi32>
    %convert_element_type3A_18 = arith.sitofp %convert_element_type3A_17 : vector<64x1000xi32> to vector<64x1000xf32>
    %get3A_19 = arith.constant 0 : index
    %get3A_20 = arith.constant 0 : index
    %get3A_21 = vector.load %arg1[%get3A_19, %get3A_20] : memref<1000x64xf32, #tpu.memory_space<vmem>>, vector<1000x64xf32>
    %mul3A = vector.broadcast %add3A_9 : vector<1000x1xf32> to vector<1000x64xf32>
    %mul3A_22 = arith.mulf %get3A_21, %mul3A : vector<1000x64xf32>
    %get3A_23 = arith.constant 0 : index
    %get3A_24 = arith.constant 0 : index
    %get3A_25 = vector.load %arg9[%get3A_23, %get3A_24] : memref<64x64xf32, #tpu.memory_space<vmem>>, vector<64x64xf32>
    %dot_general3A = arith.constant dense<0.000000e+00> : vector<64x64xf32>
    %dot_general3A_26 = tpu.matmul %convert_element_type3A_18, %mul3A_22, %dot_general3A {dimension_numbers = #tpu.dot_dimension_numbers<[1], [0], [0], [1], [0, 0, 1, 1], [], []>, transpose_lhs_hint = false} : vector<64x1000xf32>, vector<1000x64xf32>, vector<64x64xf32> -> vector<64x64xf32>
    %add3A_27 = arith.addf %get3A_25, %dot_general3A_26 : vector<64x64xf32>
    %swap3A = arith.constant 0 : index
    %swap3A_28 = arith.constant 0 : index
    %swap3A_29 = vector.load %arg9[%swap3A, %swap3A_28] : memref<64x64xf32, #tpu.memory_space<vmem>>, vector<64x64xf32>
    tpu.vector_store %arg9[%swap3A, %swap3A_28], %add3A_27 {strides = array<i32>} : memref<64x64xf32, #tpu.memory_space<vmem>>, vector<64x64xf32>,
    %get3A_30 = arith.constant 0 : index
    %get3A_31 = arith.constant 0 : index
    %get3A_32 = vector.load %arg10[%get3A_30, %get3A_31] : memref<64x1xf32, #tpu.memory_space<vmem>>, vector<64x1xf32>
    %dot_general3A_33 = arith.constant dense<0.000000e+00> : vector<64x1xf32>
    %dot_general3A_34 = tpu.matmul %convert_element_type3A_18, %add3A_9, %dot_general3A_33 {dimension_numbers = #tpu.dot_dimension_numbers<[1], [0], [0], [1], [0, 0, 1, 1], [], []>, transpose_lhs_hint = false} : vector<64x1000xf32>, vector<1000x1xf32>, vector<64x1xf32> -> vector<64x1xf32>
    %add3A_35 = arith.addf %get3A_32, %dot_general3A_34 : vector<64x1xf32>
    %swap3A_36 = arith.constant 0 : index
    %swap3A_37 = arith.constant 0 : index
    %swap3A_38 = vector.load %arg10[%swap3A_36, %swap3A_37] : memref<64x1xf32, #tpu.memory_space<vmem>>, vector<64x1xf32>
    tpu.vector_store %arg10[%swap3A_36, %swap3A_37], %add3A_35 {strides = array<i32>} : memref<64x1xf32, #tpu.memory_space<vmem>>, vector<64x1xf32>,
    %eq3A_39 = arith.constant 9 : i32
    %eq3A_40 = arith.cmpi eq, %arg0, %eq3A_39 : i32
    %convert_element_type3A_41 = arith.extui %eq3A_40 : i1 to i32
    %cond3A_42 = arith.constant 0 : i32
    %cond3A_43 = arith.cmpi ne, %convert_element_type3A_41, %cond3A_42 : i32
    scf.if %cond3A_43 {
      %get3A_44 = arith.constant 0 : index
      %get3A_45 = arith.constant 0 : index
      %get3A_46 = vector.load %arg10[%get3A_44, %get3A_45] : memref<64x1xf32, #tpu.memory_space<vmem>>, vector<64x1xf32>
      %max3A = arith.constant 9.99999997E-7 : f32
      %max3A_47 = vector.broadcast %max3A : f32 to vector<64x1xf32>
      %max3A_48 = arith.maximumf %get3A_46, %max3A_47 : vector<64x1xf32>
      %get3A_49 = arith.constant 0 : index
      %get3A_50 = arith.constant 0 : index
      %get3A_51 = vector.load %arg9[%get3A_49, %get3A_50] : memref<64x64xf32, #tpu.memory_space<vmem>>, vector<64x64xf32>
      %div3A = vector.broadcast %max3A_48 : vector<64x1xf32> to vector<64x64xf32>
      %div3A_52 = arith.divf %get3A_51, %div3A : vector<64x64xf32>
      %swap3A_53 = arith.constant 0 : index
      %swap3A_54 = arith.constant 0 : index
      %swap3A_55 = vector.load %arg7[%swap3A_53, %swap3A_54] : memref<64x64xf32, #tpu.memory_space<vmem>>, vector<64x64xf32>
      tpu.vector_store %arg7[%swap3A_53, %swap3A_54], %div3A_52 {strides = array<i32>} : memref<64x64xf32, #tpu.memory_space<vmem>>, vector<64x64xf32>,
      %get3A_56 = arith.constant 0 : index
      %get3A_57 = arith.constant 0 : index
      %get3A_58 = vector.load %arg5[%get3A_56, %get3A_57] : memref<64x3xf32, #tpu.memory_space<vmem>>, vector<64x3xf32>
      %dot_general3A_59 = arith.constant dense<0.000000e+00> : vector<64x3xf32>
      %dot_general3A_60 = tpu.matmul %div3A_52, %get3A_58, %dot_general3A_59 {dimension_numbers = #tpu.dot_dimension_numbers<[1], [0], [0], [1], [0, 0, 1, 1], [], []>, transpose_lhs_hint = false} : vector<64x64xf32>, vector<64x3xf32>, vector<64x3xf32> -> vector<64x3xf32>
      %get3A_61 = arith.constant 0 : index
      %get3A_62 = arith.constant 0 : index
      %get3A_63 = vector.load %arg6[%get3A_61, %get3A_62] : memref<1x3xf32, #tpu.memory_space<vmem>>, vector<1x3xf32>
      %add3A_64 = vector.broadcast %get3A_63 : vector<1x3xf32> to vector<64x3xf32>
      %add3A_65 = arith.addf %dot_general3A_60, %add3A_64 : vector<64x3xf32>
      %swap3A_66 = arith.constant 0 : index
      %swap3A_67 = arith.constant 0 : index
      %swap3A_68 = vector.load %arg8[%swap3A_66, %swap3A_67] : memref<64x3xf32, #tpu.memory_space<vmem>>, vector<64x3xf32>
      tpu.vector_store %arg8[%swap3A_66, %swap3A_67], %add3A_65 {strides = array<i32>} : memref<64x3xf32, #tpu.memory_space<vmem>>, vector<64x3xf32>,
    } else {
    }
    return
  }
  func.func @transform_0(%arg0: i32) -> (i32, i32) {
    %c0_i32 = arith.constant 0 : i32
    %c0_i32_0 = arith.constant 0 : i32
    return %arg0, %c0_i32 : i32, i32
  }
  func.func @transform_1(%arg0: i32) -> (i32, i32) {
    %c0_i32 = arith.constant 0 : i32
    %c0_i32_0 = arith.constant 0 : i32
    return %arg0, %c0_i32 : i32, i32
  }
  func.func @transform_2(%arg0: i32) -> (i32, i32) {
    %c0_i32 = arith.constant 0 : i32
    %c0_i32_0 = arith.constant 0 : i32
    return %arg0, %c0_i32 : i32, i32
  }
  func.func @transform_3(%arg0: i32) -> (i32, i32, i32) {
    %c0_i32 = arith.constant 0 : i32
    %c0_i32_0 = arith.constant 0 : i32
    %c0_i32_1 = arith.constant 0 : i32
    return %arg0, %c0_i32, %c0_i32_0 : i32, i32, i32
  }
  func.func @transform_4(%arg0: i32) -> (i32, i32) {
    %c0_i32 = arith.constant 0 : i32
    %c0_i32_0 = arith.constant 0 : i32
    %c0_i32_1 = arith.constant 0 : i32
    return %c0_i32, %c0_i32_0 : i32, i32
  }
  func.func @transform_5(%arg0: i32) -> (i32, i32) {
    %c0_i32 = arith.constant 0 : i32
    %c0_i32_0 = arith.constant 0 : i32
    %c0_i32_1 = arith.constant 0 : i32
    return %c0_i32, %c0_i32_0 : i32, i32
  }
  func.func @transform_6(%arg0: i32) -> (i32, i32) {
    %c0_i32 = arith.constant 0 : i32
    %c0_i32_0 = arith.constant 0 : i32
    %c0_i32_1 = arith.constant 0 : i32
    return %c0_i32, %c0_i32_0 : i32, i32
  }
  func.func @transform_7(%arg0: i32) -> (i32, i32) {
    %c0_i32 = arith.constant 0 : i32
    %c0_i32_0 = arith.constant 0 : i32
    %c0_i32_1 = arith.constant 0 : i32
    return %c0_i32, %c0_i32_0 : i32, i32
  }
}

</mosaic_0001>

<sc_bundles>
// kernel: kernel.11.cloned.1.call-start
scs
__scs_entry_jumppad:
0x0: {  	(pc) =	sbr.rel $0x88, $3  }
0x1: {  	(tag) =	ssettag $0x0;
	lr =	simm.s32 $0x1  }
0x2: {  	[smem:$0x3F90] =	sst lr;
	_ =	strace $0xD0000000  }
0x3: {  	_ = 	snop  }
0x4: {  	_ = 	snop  }
0x5: {  	_ = 	snop  }
0x6: {  	_ = 	snop  }
0x7: {  	_ = 	snop  }
__scs_overlays_trampoline_lowered:
0x8: {  	[smem:$0x3F9F] =	sst s0  }
0x9: {  	[smem:$0x3FA0] =	sst s1  }
0xa: {  	[smem:$0x3FA1] =	sst s2  }
0xb: {  	[smem:$0x3FA2] =	sst s3  }
0xc: {  	[smem:$0x3FA3] =	sst s4  }
0xd: {  	[smem:$0x3FA4] =	sst s5  }
0xe: {  	[smem:$0x3FA5] =	sst s6  }
0xf: {  	[smem:$0x3FA6] =	sst s7  }
0x10: {  	[smem:$0x3FA7] =	sst s8  }
0x11: {  	[smem:$0x3FA8] =	sst s9;
	s0 =	simm.s32 @!p0 $0x0  }
0x12: {  	s1 =	sld [smem:$0x3F8E];
	s0 =	simm.s32 @p0 $0x1  }
0x13: {  	[smem:$0x3FA9] =	sst s0;
	s0 =	simm.s32 @!p1 $0x0  }
0x14: {  	s2 =	sld [smem:$0x3F8D];
	s0 =	simm.s32 @p1 $0x1  }
0x15: {  	[smem:$0x3FAA] =	sst s0;
	s0 =	simm.s32 @!p2 $0x0  }
0x16: {  	s3 =	sld [smem:$0x3FDB];
	s0 =	simm.s32 @p2 $0x1  }
0x17: {  	s4 =	simm.s32 $0x1BF5;
	[smem:$0x3FAC] =	sst s0  }
0x18: {  	s0 =	sld [smem:$0x3F8F];
	_ =	swait.ge [sflag:s4], $0x0  }
0x19: {  	s7 =	sld [smem:$0x3F90]  }
0x1a: {  	s8 =	sadd.s32 $0xFFFFE003, lr  }
0x1b: {  	s9 =	sadd.s32 $0xFFFFFEF7, lr;
	s5 =	simm.s32 $0xFFFFFFFF;
	p2 =	slt.u32 s8, $0xFFFFF086  }
0x1c: {  	p1 =	slt.u32 s9, $0xF7A;
	s5 =	simm.s32 @!p2 $0x0  }
0x1d: {  	s5 =	simm.s32 @p1 $0x1;
	p0 =	seq.s32 s7, s2  }
0x1e: {  	s7 =	smul.u32 @!p0 $0xF7A, s2;
	p2 =	seq.s32 @!p0 s5, $0x0  }
0x1f: {  	s9 =	smul.u32 $0xF7A, s1;
	s8 =	simm.s32 @!p0 $0x1BF5;
	p2 =	por !p2, p0  }
0x20: {  	[sflag:s8] =	ssyncset.s32 @!p0 $0xFFFFF086;
	s6 =	sadd.s32 @!p0 s3, s7;
	s7 =	simm.s32 @!p0 $0x108  }
0x21: {  	s3 =	sadd.s32 s3, s9;
	s6 =	sadd.s32 @!p0 $0x88, s6;
	s7 =	simm.s32 @p2 $0x1082  }
0x22: {  	[simem:s7], [sflag:s8] =	dma.local @!p0 [hbm:s6], $0xF7A  }
0x23: {  	s9 =	sor.u32 $0xD0000000, s2;
	s6 =	simm.s32 $0x108;
	_ =	swait.ge @!p0 [sflag:s8], $0x0  }
0x24: {  	s3 =	sadd.s32 $0x88, s3;
	s6 =	simm.s32 @!p1 $0x1082;
	[sflag:s4] =	ssyncset.s32 $0xFFFFF086  }
0x25: {  	[simem:s6], [sflag:s4] =	dma.local [hbm:s3], $0xF7A  }
0x26: {  	[smem:$0x3F90] =	sst s1;
	(tag) =	ssettag s2;
	_ =	strace s9  }
0x27: {  	s1 =	sld [smem:$0x3FA0]  }
0x28: {  	s2 =	sld [smem:$0x3FA1]  }
0x29: {  	s4 =	sld [smem:$0x3FA3]  }
0x2a: {  	p0 =	seq.s32 s5, $0x0;
	s5 =	sld [smem:$0x3FA4]  }
0x2b: {  	s6 =	sld [smem:$0x3FA5]  }
0x2c: {  	s7 =	sld [smem:$0x3FA6]  }
0x2d: {  	s3 =	simm.s32 $0x108;
	s8 =	sld [smem:$0x3FA7]  }
0x2e: {  	s3 =	simm.s32 @!p0 $0x1082;
	s9 =	sld [smem:$0x3FA8]  }
0x2f: {  	lr =	sadd.s32 s0, s3;
	s0 =	sld [smem:$0x3F9F]  }
0x30: {  	s3 =	sld [smem:$0x3FA2]  }
0x31: {  	[smem:$0x3FAB] =	sst s10  }
0x32: {  	s10 =	sld [smem:$0x3FA9];
	_ =	sdelay $0x3  }
0x33: {  	p0 =	seq.s32 s10, $0x1;
	s10 =	sld [smem:$0x3FAB];
	_ =	sdelay $0x3  }
0x34: {  	[smem:$0x3FAB] =	sst s10  }
0x35: {  	s10 =	sld [smem:$0x3FAA];
	_ =	sdelay $0x3  }
0x36: {  	p1 =	seq.s32 s10, $0x1;
	s10 =	sld [smem:$0x3FAB];
	_ =	sdelay $0x3  }
0x37: {  	[smem:$0x3FAB] =	sst s10  }
0x38: {  	s10 =	sld [smem:$0x3FAC]  }
0x39: {  	_ = 	snop;
	(pc) =	sbr.ind lr, $3  }
0x3a: {  	_ = 	snop  }
0x3b: {  	_ = 	snop  }
0x3c: {  	p2 =	seq.s32 s10, $0x1;
	s10 =	sld [smem:$0x3FAB]  }
0x3d: {  	_ =	shalt  }
0x3e: {  	_ =	shalt  }
0x3f: {  	_ =	shalt  }
0x40: {  	_ =	shalt  }
0x41: {  	_ =	shalt  }
0x42: {  	_ =	shalt  }
0x43: {  	_ =	shalt  }
0x44: {  	_ =	shalt  }
0x45: {  	_ =	shalt  }
0x46: {  	_ =	shalt  }
0x47: {  	_ =	shalt  }
0x48: {  	_ =	shalt  }
0x49: {  	_ =	shalt  }
0x4a: {  	_ =	shalt  }
0x4b: {  	_ =	shalt  }
0x4c: {  	_ =	shalt  }
0x4d: {  	_ =	shalt  }
0x4e: {  	_ =	shalt  }
0x4f: {  	_ =	shalt  }
0x50: {  	_ =	shalt  }
0x51: {  	_ =	shalt  }
0x52: {  	_ =	shalt  }
0x53: {  	_ =	shalt  }
0x54: {  	_ =	shalt  }
0x55: {  	_ =	shalt  }
0x56: {  	_ =	shalt  }
0x57: {  	_ =	shalt  }
0x58: {  	_ =	shalt  }
0x59: {  	_ =	shalt  }
0x5a: {  	_ =	shalt  }
0x5b: {  	_ =	shalt  }
0x5c: {  	_ =	shalt  }
0x5d: {  	_ =	shalt  }
0x5e: {  	_ =	shalt  }
0x5f: {  	_ =	shalt  }
0x60: {  	_ =	shalt  }
0x61: {  	_ =	shalt  }
0x62: {  	_ =	shalt  }
0x63: {  	_ =	shalt  }
0x64: {  	_ =	shalt  }
0x65: {  	_ =	shalt  }
0x66: {  	_ =	shalt  }
0x67: {  	_ =	shalt  }
0x68: {  	_ =	shalt  }
0x69: {  	_ =	shalt  }
0x6a: {  	_ =	shalt  }
0x6b: {  	_ =	shalt  }
0x6c: {  	_ =	shalt  }
0x6d: {  	_ =	shalt  }
0x6e: {  	_ =	shalt  }
0x6f: {  	_ =	shalt  }
0x70: {  	_ =	shalt  }
0x71: {  	_ =	shalt  }
0x72: {  	_ =	shalt  }
0x73: {  	_ =	shalt  }
0x74: {  	_ =	shalt  }
0x75: {  	_ =	shalt  }
0x76: {  	_ =	shalt  }
0x77: {  	_ =	shalt  }
0x78: {  	_ =	shalt  }
0x79: {  	_ =	shalt  }
0x7a: {  	_ =	shalt  }
0x7b: {  	_ =	shalt  }
0x7c: {  	_ =	shalt  }
0x7d: {  	_ =	shalt  }
0x7e: {  	_ =	shalt  }
0x7f: {  	_ =	shalt  }
0x80: {  	_ =	shalt  }
0x81: {  	_ =	shalt  }
0x82: {  	_ =	shalt  }
0x83: {  	_ =	shalt  }
0x84: {  	_ =	shalt  }
0x85: {  	_ =	shalt  }
0x86: {  	_ =	shalt  }
0x87: {  	_ =	shalt  }
.Lfunc_end0:
.L_simem_size_0:
called_computation_lowered:
.L_overlay_start_0:
0x88: {  	s2 =	sld [smem:$0x3FD9]  }
0x89: {  	s3 =	sld [smem:$0x3FFE];
	_ =	sdelay $0x1  }
0x8a: {  	s1 =	srdreg.scid  }
0x8b: {  	s0 =	sand.u32 $0x1, s1  }
0x8c: {  	s14 =	sshll.u32 s0, $0xA;
	s2 =	sadd.s32 s3, s2  }
0x8d: {  	s2 =	sadd.s32 s2, s14  }
0x8e: {  	[smem:$0x3FB7] =	sst s2  }
0x8f: {  	_ = 	snop  }
0x90: {  	s2 =	sld [smem:$0x3FD0];
	_ =	sdelay $0x2  }
0x91: {  	s15 =	simm.s32 $0xA;
	s4 =	simm.s32 $0x10  }
0x92: {  	[smem:s4], [sflag:s15] =	dma.local [hbm:s2], $0x1  }
0x93: {  	_ =	swait.eq [sflag:s15], $0x1  }
0x94: {  	[sflag:s15] =	ssyncset.done $0x0  }
0x95: {  	s16 =	sld [smem:$0x10];
	[sflag:s15] =	ssyncadd.s32 $0xFFFFFFFF  }
0x96: {  	s17 =	sld [smem:$0x12];
	(tm) =	ssettm $0x1  }
0x97: {  	s18 =	sld [smem:$0x3FFB];
	_ =	sdelay $0x3  }
0x98: {  	_ =	strace s18  }
0x99: {  	s4 =	sld [smem:$0x3FFC];
	_ =	sdelay $0x3  }
0x9a: {  	_ =	strace s4  }
0x9b: {  	s4 =	sld [smem:$0x3FFD];
	_ =	sdelay $0x3  }
0x9c: {  	_ =	strace s4  }
0x9d: {  	_ =	strace $0x8FFFFFFF  }
0x9e: {  	s19 =	sld [smem:$0x3FDB];
	_ =	sdelay $0x1  }
0x9f: {  	s5 =	simm.s32 $_scs_section_size  }
0xa0: {  	s6 =	simm.s32 $_size__tile_overlayer_lowered;
	s7 =	simm.s32 $_tile_overlayer_lowered  }
0xa1: {  	s22 =	simm.s32 $0x1BFF;
	s21 =	sshll.u32 s7, $0x1;
	s4 =	sadd.s32 s5, s19  }
0xa2: {  	s8 =	simm.s32 $0x0;
	s20 =	sshll.u32 s6, $0x1;
	s6 =	sadd.s32 s21, s4  }
0xa3: {  	[timem:s8], [sflag:s22] =	dma.local [hbm:s6], s20  }
0xa4: {  	_ =	swait.ge [sflag:s22], s20  }
0xa5: {  	s5 =	ssub.s32 $0x0, s20;
	[sflag:s22] =	ssyncset.done $0x0  }
0xa6: {  	[sflag:s22] =	ssyncadd.s32 s5;
	_ =	sdelay $0x1  }
0xa7: {  	s23 =	simm.s32 $0x1B8B  }
0xa8: {  	_ =	swait.ge [sflag:s23], $0x1  }
0xa9: {  	[sflag:s23] =	ssyncset.done $0x0  }
0xaa: {  	s25 =	simm.s32 $0x1B8E;
	s24 =	sld [smem:$0x3FFE];
	[sflag:s23] =	ssyncadd.s32 $0xFFFFFFFF  }
0xab: {  	s26 =	simm.s32 $execute0_lowered;
	[smem:$0x3FD2] =	sst s25  }
0xac: {  	s6 =	sshll.u32 s26, $0x1;
	_ =	strace $0x80000046;
	[dreg:$0x1] =	wrdreg $0xFFFFFFFF  }
0xad: {  	s28 =	simm.s32 $_size_execute0_lowered;
	s4 =	sadd.s32 s4, s6;
	[dreg:$0x0] =	wrdreg $0x0  }
0xae: {  	s6 =	sshll.u32 s28, $0x1;
	[dreg:$0x2] =	wrdreg s4  }
0xaf: {  	[dreg:$0x3] =	wrdreg s6  }
0xb0: {  	[dreg:$0x4] =	wrdreg $0xC0  }
0xb1: {  	_ =	task [dreg:s8], $0x5FFFF  }
0xb2: {  	[dreg:$0x1] =	wrdreg $0xFFFFFFFF  }
0xb3: {  	[dreg:$0x0] =	wrdreg $0x60  }
0xb4: {  	[dreg:$0x2] =	wrdreg s17  }
0xb5: {  	[dreg:$0x3] =	wrdreg s24  }
0xb6: {  	[dreg:$0x4] =	wrdreg s16  }
0xb7: {  	[dreg:$0x5] =	wrdreg $0x62200  }
0xb8: {  	[dreg:$0x6] =	wrdreg $0x9  }
0xb9: {  	_ =	task.clear_ibuf [dreg:s8], $0x7FFFF;
	_ =	strace $0x90000046  }
0xba: {  	s29 =	simm.s32 $0x9;
	_ =	strace $0x80000048  }
0xbb: {  	_ =	swait.ge [sflag:s29], $0x1  }
0xbc: {  	[sflag:s29] =	ssyncadd.s32 $0xFFFFFFFF  }
0xbd: {  	_ =	strace $0x90000048  }
0xbe: {  	_ =	sfence  }
0xbf: {  	s30 =	sld [smem:$0x0];
	_ =	sdelay $0x2  }
0xc0: {  	s31 =	sshll.u32 s1, $0xD;
	s1 =	sshrl.u32 s1, $0x2  }
0xc1: {  	s3 =	sand.u32 $0x4000, s31;
	s1 =	sadd.s32 s1, s30  }
0xc2: {  	s0 =	sor.u32 s3, s0;
	s1 =	sshll.u32 s1, $0x11  }
0xc3: {  	s0 =	sor.u32 s1, s0  }
0xc4: {  	s0 =	sadd.s32 $0x8F2B, s0  }
0xc5: {  	[sflag:s0] =	ssyncadd.remote.s32 $0x1  }
0xc6: {  	_ =	sfence.sel $0xFFFF  }
0xc7: {  	[dreg:$0x0] =	wrdreg $0xFFFFFFFF;
	(pc) =	sbr.abs _section_cstart, $3  }
0xc8: {  	[dreg:$0x1] =	wrdreg $0xFFFFFFFF  }
0xc9: {  	_ =	task.clear_ibuf [dreg:s8], $0x2FFFF;
	_ =	strace $0x9FFFFFFF  }
0xca: {  	(tm) =	ssettm $0x7FFFFFFF  }
0xcb: {  	_ =	shalt  }
tec
execute0_lowered:
.L_overlay_start_1:
0x0: {  	(tag) =	ssettag $0x1  }
0x1: {  	s1 =	rddreg [dreg:$0x0]  }
0x2: {  	s6 =	rddreg [dreg:$0x1]  }
0x3: {  	s3 =	rddreg [dreg:$0x2]  }
0x4: {  	s4 =	rddreg [dreg:$0x3]  }
0x5: {  	s0 =	rddreg [dreg:$0x4];
	s5 =	srdreg.scid  }
0x6: {  	s2 =	stileid.u32;
	s12 =	simm.s32 $0x2;
	s13 =	simm.s32 $0x2710  }
0x7: {  	s16 =	simm.s32 $0x50;
	s17 =	simm.s32 $0x4E20;
	s18 =	simm.s32 $0x1  }
0x8: {  	s19 =	simm.s32 $0x0;
	s7 =	sand.u32 $0x1, s5;
	s8 =	sshll.u32 s2, $0x1  }
0x9: {  	s9 =	smul.u32 $0xA000, s2;
	s5 =	simm.s32 $0x0;
	p0 =	seq.s32 s2, $0xF  }
0xa: {  	s14 =	sshll.u32 s2, $0x6;
	s8 =	sor.u32 s7, s8;
	s10 =	smul.u32 $0x9C400, s7  }
0xb: {  	[smem:$0x7FF] =	sst s5;
	s7 =	ssub.s32 $0x2, s7;
	s14 =	sor.u32 $0x1C02, s14  }
0xc: {  	s8 =	smul.u32 $0x4E2, s8;
	_ =	strace $0x80000047;
	s11 =	sshrl.u32 s7, $0x1  }
0xd: {  	s15 =	sadd.s32 s9, s4;
	s10 =	sadd.s32 s9, s10;
	s11 =	ssub.s32 s7, s11  }
0xe: {  	s9 =	simm.s32 $0xC80;
	s15 =	sshrl.u32 s15, $0x3;
	s10 =	sshrl.u32 s10, $0x3  }
0xf: {  	s8 =	sadd.s32 s8, s6;
	s9 =	simm.s32 @!p0 $0x1400;
	s10 =	sadd.s32 s10, s6  }
0x10: {  	s6 =	sadd.s32 $0xD600, s8;
	s7 =	sadd.s32 $0x3800, s8;
	s8 =	simm.s32 $0xFFFFF380  }
0x11: {  	s11 =	smax.u32 s11, $0x1;
	s8 =	simm.s32 @!p0 $0xFFFFEC00;
	s10 =	sadd.s32 $0x17400, s10  }
.LBB2_1:
0x12: {  	[tilespmem:s5], [sflag:$0x2] =	stream.linear.gather [hbm4b:s6+s5], $0x2710, $0x38;
	[tilespmem:$0xFE60] =	vst v63  }
0x13: {  	_ =	swait.ge [sflag:s12], $0x2710  }
0x14: {  	[sflag:s12] =	ssyncset.done $0x0  }
0x15: {  	[sflag:s12] =	ssyncadd.s32 $0xFFFFD8F0  }
0x16: {  	[tilespmem:s13], [sflag:$0x2] =	stream.linear.gather [hbm4b:s7+s5], $0x2710, $0x38;
	[tilespmem:$0xFE60] =	vst v63  }
0x17: {  	_ =	swait.ge [sflag:s12], $0x2710  }
0x18: {  	[sflag:s12] =	ssyncset.done $0x0  }
0x19: {  	[sflag:s12] =	ssyncadd.s32 $0xFFFFD8F0  }
0x1a: {  	[spmem:s15], [sflag:s14] =	dma.local [hbm:s3], s9  }
0x1b: {  	_ =	swait.ge [sflag:s12], s9  }
0x1c: {  	[sflag:s12] =	ssyncset.done $0x0  }
0x1d: {  	[sflag:s12] =	ssyncadd.s32 s8  }
0x1e: {  	s20 =	simm.s32 $0x0;
	[bflag:$0x0] =	sbarrier.arrive $0xFFFF  }
0x1f: {  	[tilespmem:s17], [sflag:$0x1] =	stream.indirect.gather [hbm4b:s1+s16], $0x40, s20, s16, $0xb8;
	[tilespmem:$0xFE60] =	vst v63  }
0x20: {  	_ =	swait.ge [sflag:s18], $0x1400  }
0x21: {  	[sflag:s18] =	ssyncset.done $0x0  }
0x22: {  	s31 =	simm.s32 $0x2710;
	[sflag:s18] =	ssyncadd.s32 $0xFFFFEC00  }
0x23: {  	[spmem:s4] =	stream.indirect.scatter.add.f32 [tilespmem:s17], [sflag:$0x2], $0x40, s31, s16, $0xb8;
	[tilespmem:$0xFE60] =	vst v63  }
0x24: {  	_ =	swait.ge [sflag:s12], $0x1400  }
0x25: {  	s21 =	simm.s32 $0x280;
	s20 =	simm.s32 $0x140;
	[sflag:s12] =	ssyncset.done $0x0  }
.LBB2_2:
0x26: {  	s22 =	sshra.s32 s20, $0x2  }
0x27: {  	[sflag:s12] =	ssyncadd.s32 $0xFFFFEC00;
	s20 =	smov.u32 s21;
	s23 =	sadd.s32 $0x140, s21  }
0x28: {  	[tilespmem:s17], [sflag:$0x1] =	stream.indirect.gather [hbm4b:s1+s16], $0x40, s22, s16, $0xb8;
	[tilespmem:$0xFE60] =	vst v63  }
0x29: {  	p0 =	sne.s32 s21, $0x9B00;
	_ =	swait.ge [sflag:s18], $0x1400  }
.Ltmp0:
0x2a: {  	[sflag:s18] =	ssyncset.done $0x0;
	(pc) =	sbr.rel @p0 .LBB2_2-.Ltmp0, $4  }
0x2b: {  	s21 =	sadd.s32 $0x2710, s22;
	[sflag:s18] =	ssyncadd.s32 $0xFFFFEC00  }
0x2c: {  	[spmem:s4] =	stream.indirect.scatter.add.f32 [tilespmem:s17], [sflag:$0x2], $0x40, s21, s16, $0xb8;
	[tilespmem:$0xFE60] =	vst v63  }
0x2d: {  	_ =	swait.ge [sflag:s12], $0x1400  }
0x2e: {  	s21 =	smov.u32 s23;
	[sflag:s12] =	ssyncset.done $0x0  }
0x2f: {  	s20 =	sshra.s32 s20, $0x2;
	[sflag:s12] =	ssyncadd.s32 $0xFFFFEC00  }
0x30: {  	[tilespmem:s17], [sflag:$0x1] =	stream.indirect.gather [hbm4b:s1+s16], $0x40, s20, s16, $0xb8;
	[tilespmem:$0xFE60] =	vst v63  }
0x31: {  	_ =	swait.ge [sflag:s18], $0x1400  }
0x32: {  	[sflag:s18] =	ssyncset.done $0x0  }
0x33: {  	s20 =	sadd.s32 $0x2710, s20;
	[sflag:s18] =	ssyncadd.s32 $0xFFFFEC00  }
0x34: {  	[spmem:s4] =	stream.indirect.scatter.add.f32 [tilespmem:s17], [sflag:$0x2], $0x40, s20, s16, $0xb8;
	[tilespmem:$0xFE60] =	vst v63  }
0x35: {  	_ =	swait.ge [sflag:s12], $0x1400  }
0x36: {  	s19 =	sadd.s32 $0x1, s19;
	[sflag:s12] =	ssyncset.done $0x0  }
0x37: {  	p0 =	sne.s32 s19, s11;
	[sflag:s12] =	ssyncadd.s32 $0xFFFFEC00  }
.Ltmp1:
0x38: {  	[bflag:$0x0] =	sbarrier.arrive $0xFFFF;
	(pc) =	sbr.rel @p0 .LBB2_1-.Ltmp1, $4  }
0x39: {  	[hbm:s10], [sflag:s14] =	dma.local [spmem:s15], s9  }
0x3a: {  	_ =	swait.ge [sflag:s12], s9  }
0x3b: {  	[sflag:s12] =	ssyncset.done $0x0  }
0x3c: {  	[sflag:s12] =	ssyncadd.s32 s8  }
0x3d: {  	_ =	sfence.sel $0x180000  }
0x3e: {  	[bflag:$0x0] =	sbarrier.arrive $0xFFFF  }
0x3f: {  	p0 =	sne.s32 s2, $0x0;
	_ =	strace $0x90000047  }
0x40: {  	s0 =	sadd.s32 @!p0 $0x100000, s0;
	[bflag:$0x2] =	sbarrier.arrive $0xFFFF  }
0x41: {  	[sflag:s0] =	ssyncadd.tile.s32 @!p0 $0x1;
	_ =	shalt  }
.Lfunc_end2:
_tile_overlayer_lowered:
.L_overlay_start_2:
0x42: {  	(tag) =	ssettag $0x2  }
0x43: {  	s0 =	rddreg [dreg:$0x0];
	s2 =	stileid.u32  }
0x44: {  	s1 =	rddreg [dreg:$0x1];
	p0 =	sne.s32 s2, $0x0  }
0x45: {  	s3 =	rddreg [dreg:$0x2];
	[bflag:$0x3] =	sbarrier.arrive $0xFFFF;
	s2 =	simm.s32 @!p0 $0x1C02  }
0x46: {  	[timem:s3], [sflag:s2] =	dma.local @!p0 [hbm:s0], s1  }
0x47: {  	s0 =	simm.s32 @!p0 $0x2  }
0x48: {  	_ =	swait.ge @!p0 [sflag:s0], s1  }
0x49: {  	s1 =	ssub.s32 @!p0 $0x0, s1;
	[sflag:s0] =	ssyncset.done @!p0 $0x0  }
0x4a: {  	[sflag:s0] =	ssyncadd.s32 @!p0 s1  }
0x4b: {  	[bflag:$0x3] =	sbarrier.arrive $0xFFFF  }
0x4c: {  	_ =	shalt  }

// kernel: kernel.14.cloned.1.call-start
scs
__scs_entry_jumppad:
0x0: {  	(pc) =	sbr.rel $0x88, $3  }
0x1: {  	(tag) =	ssettag $0x0;
	lr =	simm.s32 $0x1  }
0x2: {  	[smem:$0x3F90] =	sst lr;
	_ =	strace $0xD0000000  }
0x3: {  	_ = 	snop  }
0x4: {  	_ = 	snop  }
0x5: {  	_ = 	snop  }
0x6: {  	_ = 	snop  }
0x7: {  	_ = 	snop  }
__scs_overlays_trampoline_lowered:
0x8: {  	[smem:$0x3F9F] =	sst s0  }
0x9: {  	[smem:$0x3FA0] =	sst s1  }
0xa: {  	[smem:$0x3FA1] =	sst s2  }
0xb: {  	[smem:$0x3FA2] =	sst s3  }
0xc: {  	[smem:$0x3FA3] =	sst s4  }
0xd: {  	[smem:$0x3FA4] =	sst s5  }
0xe: {  	[smem:$0x3FA5] =	sst s6  }
0xf: {  	[smem:$0x3FA6] =	sst s7  }
0x10: {  	[smem:$0x3FA7] =	sst s8  }
0x11: {  	[smem:$0x3FA8] =	sst s9;
	s0 =	simm.s32 @!p0 $0x0  }
0x12: {  	s1 =	sld [smem:$0x3F8E];
	s0 =	simm.s32 @p0 $0x1  }
0x13: {  	[smem:$0x3FA9] =	sst s0;
	s0 =	simm.s32 @!p1 $0x0  }
0x14: {  	s2 =	sld [smem:$0x3F8D];
	s0 =	simm.s32 @p1 $0x1  }
0x15: {  	[smem:$0x3FAA] =	sst s0;
	s0 =	simm.s32 @!p2 $0x0  }
0x16: {  	s3 =	sld [smem:$0x3FDB];
	s0 =	simm.s32 @p2 $0x1  }
0x17: {  	s4 =	simm.s32 $0x1BF5;
	[smem:$0x3FAC] =	sst s0  }
0x18: {  	s0 =	sld [smem:$0x3F8F];
	_ =	swait.ge [sflag:s4], $0x0  }
0x19: {  	s7 =	sld [smem:$0x3F90]  }
0x1a: {  	s8 =	sadd.s32 $0xFFFFE003, lr  }
0x1b: {  	s9 =	sadd.s32 $0xFFFFFEF7, lr;
	s5 =	simm.s32 $0xFFFFFFFF;
	p2 =	slt.u32 s8, $0xFFFFF086  }
0x1c: {  	p1 =	slt.u32 s9, $0xF7A;
	s5 =	simm.s32 @!p2 $0x0  }
0x1d: {  	s5 =	simm.s32 @p1 $0x1;
	p0 =	seq.s32 s7, s2  }
0x1e: {  	s7 =	smul.u32 @!p0 $0xF7A, s2;
	p2 =	seq.s32 @!p0 s5, $0x0  }
0x1f: {  	s9 =	smul.u32 $0xF7A, s1;
	s8 =	simm.s32 @!p0 $0x1BF5;
	p2 =	por !p2, p0  }
0x20: {  	[sflag:s8] =	ssyncset.s32 @!p0 $0xFFFFF086;
	s6 =	sadd.s32 @!p0 s3, s7;
	s7 =	simm.s32 @!p0 $0x108  }
0x21: {  	s3 =	sadd.s32 s3, s9;
	s6 =	sadd.s32 @!p0 $0x88, s6;
	s7 =	simm.s32 @p2 $0x1082  }
0x22: {  	[simem:s7], [sflag:s8] =	dma.local @!p0 [hbm:s6], $0xF7A  }
0x23: {  	s9 =	sor.u32 $0xD0000000, s2;
	s6 =	simm.s32 $0x108;
	_ =	swait.ge @!p0 [sflag:s8], $0x0  }
0x24: {  	s3 =	sadd.s32 $0x88, s3;
	s6 =	simm.s32 @!p1 $0x1082;
	[sflag:s4] =	ssyncset.s32 $0xFFFFF086  }
0x25: {  	[simem:s6], [sflag:s4] =	dma.local [hbm:s3], $0xF7A  }
0x26: {  	[smem:$0x3F90] =	sst s1;
	(tag) =	ssettag s2;
	_ =	strace s9  }
0x27: {  	s1 =	sld [smem:$0x3FA0]  }
0x28: {  	s2 =	sld [smem:$0x3FA1]  }
0x29: {  	s4 =	sld [smem:$0x3FA3]  }
0x2a: {  	p0 =	seq.s32 s5, $0x0;
	s5 =	sld [smem:$0x3FA4]  }
0x2b: {  	s6 =	sld [smem:$0x3FA5]  }
0x2c: {  	s7 =	sld [smem:$0x3FA6]  }
0x2d: {  	s3 =	simm.s32 $0x108;
	s8 =	sld [smem:$0x3FA7]  }
0x2e: {  	s3 =	simm.s32 @!p0 $0x1082;
	s9 =	sld [smem:$0x3FA8]  }
0x2f: {  	lr =	sadd.s32 s0, s3;
	s0 =	sld [smem:$0x3F9F]  }
0x30: {  	s3 =	sld [smem:$0x3FA2]  }
0x31: {  	[smem:$0x3FAB] =	sst s10  }
0x32: {  	s10 =	sld [smem:$0x3FA9];
	_ =	sdelay $0x3  }
0x33: {  	p0 =	seq.s32 s10, $0x1;
	s10 =	sld [smem:$0x3FAB];
	_ =	sdelay $0x3  }
0x34: {  	[smem:$0x3FAB] =	sst s10  }
0x35: {  	s10 =	sld [smem:$0x3FAA];
	_ =	sdelay $0x3  }
0x36: {  	p1 =	seq.s32 s10, $0x1;
	s10 =	sld [smem:$0x3FAB];
	_ =	sdelay $0x3  }
0x37: {  	[smem:$0x3FAB] =	sst s10  }
0x38: {  	s10 =	sld [smem:$0x3FAC]  }
0x39: {  	_ = 	snop;
	(pc) =	sbr.ind lr, $3  }
0x3a: {  	_ = 	snop  }
0x3b: {  	_ = 	snop  }
0x3c: {  	p2 =	seq.s32 s10, $0x1;
	s10 =	sld [smem:$0x3FAB]  }
0x3d: {  	_ =	shalt  }
0x3e: {  	_ =	shalt  }
0x3f: {  	_ =	shalt  }
0x40: {  	_ =	shalt  }
0x41: {  	_ =	shalt  }
0x42: {  	_ =	shalt  }
0x43: {  	_ =	shalt  }
0x44: {  	_ =	shalt  }
0x45: {  	_ =	shalt  }
0x46: {  	_ =	shalt  }
0x47: {  	_ =	shalt  }
0x48: {  	_ =	shalt  }
0x49: {  	_ =	shalt  }
0x4a: {  	_ =	shalt  }
0x4b: {  	_ =	shalt  }
0x4c: {  	_ =	shalt  }
0x4d: {  	_ =	shalt  }
0x4e: {  	_ =	shalt  }
0x4f: {  	_ =	shalt  }
0x50: {  	_ =	shalt  }
0x51: {  	_ =	shalt  }
0x52: {  	_ =	shalt  }
0x53: {  	_ =	shalt  }
0x54: {  	_ =	shalt  }
0x55: {  	_ =	shalt  }
0x56: {  	_ =	shalt  }
0x57: {  	_ =	shalt  }
0x58: {  	_ =	shalt  }
0x59: {  	_ =	shalt  }
0x5a: {  	_ =	shalt  }
0x5b: {  	_ =	shalt  }
0x5c: {  	_ =	shalt  }
0x5d: {  	_ =	shalt  }
0x5e: {  	_ =	shalt  }
0x5f: {  	_ =	shalt  }
0x60: {  	_ =	shalt  }
0x61: {  	_ =	shalt  }
0x62: {  	_ =	shalt  }
0x63: {  	_ =	shalt  }
0x64: {  	_ =	shalt  }
0x65: {  	_ =	shalt  }
0x66: {  	_ =	shalt  }
0x67: {  	_ =	shalt  }
0x68: {  	_ =	shalt  }
0x69: {  	_ =	shalt  }
0x6a: {  	_ =	shalt  }
0x6b: {  	_ =	shalt  }
0x6c: {  	_ =	shalt  }
0x6d: {  	_ =	shalt  }
0x6e: {  	_ =	shalt  }
0x6f: {  	_ =	shalt  }
0x70: {  	_ =	shalt  }
0x71: {  	_ =	shalt  }
0x72: {  	_ =	shalt  }
0x73: {  	_ =	shalt  }
0x74: {  	_ =	shalt  }
0x75: {  	_ =	shalt  }
0x76: {  	_ =	shalt  }
0x77: {  	_ =	shalt  }
0x78: {  	_ =	shalt  }
0x79: {  	_ =	shalt  }
0x7a: {  	_ =	shalt  }
0x7b: {  	_ =	shalt  }
0x7c: {  	_ =	shalt  }
0x7d: {  	_ =	shalt  }
0x7e: {  	_ =	shalt  }
0x7f: {  	_ =	shalt  }
0x80: {  	_ =	shalt  }
0x81: {  	_ =	shalt  }
0x82: {  	_ =	shalt  }
0x83: {  	_ =	shalt  }
0x84: {  	_ =	shalt  }
0x85: {  	_ =	shalt  }
0x86: {  	_ =	shalt  }
0x87: {  	_ =	shalt  }
.Lfunc_end0:
.L_simem_size_0:
called_computation.1_lowered:
.L_overlay_start_0:
0x88: {  	s2 =	sld [smem:$0x3FD9]  }
0x89: {  	s3 =	sld [smem:$0x3FFE];
	_ =	sdelay $0x1  }
0x8a: {  	s1 =	srdreg.scid  }
0x8b: {  	s0 =	sand.u32 $0x1, s1  }
0x8c: {  	s14 =	sshll.u32 s0, $0xA;
	s2 =	sadd.s32 s3, s2  }
0x8d: {  	s2 =	sadd.s32 s2, s14  }
0x8e: {  	[smem:$0x3FB7] =	sst s2  }
0x8f: {  	_ = 	snop  }
0x90: {  	s2 =	sld [smem:$0x3FD0];
	_ =	sdelay $0x2  }
0x91: {  	s15 =	simm.s32 $0xA;
	s4 =	simm.s32 $0x10  }
0x92: {  	[smem:s4], [sflag:s15] =	dma.local [hbm:s2], $0x1  }
0x93: {  	_ =	swait.eq [sflag:s15], $0x1  }
0x94: {  	[sflag:s15] =	ssyncset.done $0x0  }
0x95: {  	s16 =	sld [smem:$0x10];
	[sflag:s15] =	ssyncadd.s32 $0xFFFFFFFF  }
0x96: {  	s17 =	sld [smem:$0x12];
	(tm) =	ssettm $0x1  }
0x97: {  	s18 =	sld [smem:$0x3FFB];
	_ =	sdelay $0x3  }
0x98: {  	_ =	strace s18  }
0x99: {  	s4 =	sld [smem:$0x3FFC];
	_ =	sdelay $0x3  }
0x9a: {  	_ =	strace s4  }
0x9b: {  	s4 =	sld [smem:$0x3FFD];
	_ =	sdelay $0x3  }
0x9c: {  	_ =	strace s4  }
0x9d: {  	_ =	strace $0x8FFFFFFF  }
0x9e: {  	s19 =	sld [smem:$0x3FDB];
	_ =	sdelay $0x1  }
0x9f: {  	s5 =	simm.s32 $_scs_section_size  }
0xa0: {  	s6 =	simm.s32 $_size__tile_overlayer_lowered;
	s7 =	simm.s32 $_tile_overlayer_lowered  }
0xa1: {  	s22 =	simm.s32 $0x1BFF;
	s21 =	sshll.u32 s7, $0x1;
	s4 =	sadd.s32 s5, s19  }
0xa2: {  	s8 =	simm.s32 $0x0;
	s20 =	sshll.u32 s6, $0x1;
	s6 =	sadd.s32 s21, s4  }
0xa3: {  	[timem:s8], [sflag:s22] =	dma.local [hbm:s6], s20  }
0xa4: {  	_ =	swait.ge [sflag:s22], s20  }
0xa5: {  	s5 =	ssub.s32 $0x0, s20;
	[sflag:s22] =	ssyncset.done $0x0  }
0xa6: {  	[sflag:s22] =	ssyncadd.s32 s5;
	_ =	sdelay $0x1  }
0xa7: {  	s23 =	simm.s32 $0x1B8B  }
0xa8: {  	_ =	swait.ge [sflag:s23], $0x1  }
0xa9: {  	[sflag:s23] =	ssyncset.done $0x0  }
0xaa: {  	s25 =	simm.s32 $0x1B8E;
	s24 =	sld [smem:$0x3FFE];
	[sflag:s23] =	ssyncadd.s32 $0xFFFFFFFF  }
0xab: {  	s26 =	simm.s32 $execute0_lowered;
	[smem:$0x3FD2] =	sst s25  }
0xac: {  	s6 =	sshll.u32 s26, $0x1;
	_ =	strace $0x80000049;
	[dreg:$0x1] =	wrdreg $0xFFFFFFFF  }
0xad: {  	s28 =	simm.s32 $_size_execute0_lowered;
	s4 =	sadd.s32 s4, s6;
	[dreg:$0x0] =	wrdreg $0x0  }
0xae: {  	s6 =	sshll.u32 s28, $0x1;
	[dreg:$0x2] =	wrdreg s4  }
0xaf: {  	[dreg:$0x3] =	wrdreg s6  }
0xb0: {  	[dreg:$0x4] =	wrdreg $0xC0  }
0xb1: {  	_ =	task [dreg:s8], $0x5FFFF  }
0xb2: {  	[dreg:$0x1] =	wrdreg $0xFFFFFFFF  }
0xb3: {  	[dreg:$0x0] =	wrdreg $0x60  }
0xb4: {  	[dreg:$0x2] =	wrdreg s17  }
0xb5: {  	[dreg:$0x3] =	wrdreg s24  }
0xb6: {  	[dreg:$0x4] =	wrdreg s16  }
0xb7: {  	[dreg:$0x5] =	wrdreg $0x62200  }
0xb8: {  	[dreg:$0x6] =	wrdreg $0x9  }
0xb9: {  	_ =	task.clear_ibuf [dreg:s8], $0x7FFFF;
	_ =	strace $0x90000049  }
0xba: {  	s29 =	simm.s32 $0x9;
	_ =	strace $0x8000004B  }
0xbb: {  	_ =	swait.ge [sflag:s29], $0x1  }
0xbc: {  	[sflag:s29] =	ssyncadd.s32 $0xFFFFFFFF  }
0xbd: {  	_ =	strace $0x9000004B  }
0xbe: {  	_ =	sfence  }
0xbf: {  	s30 =	sld [smem:$0x0];
	_ =	sdelay $0x2  }
0xc0: {  	s31 =	sshll.u32 s1, $0xD;
	s1 =	sshrl.u32 s1, $0x2  }
0xc1: {  	s3 =	sand.u32 $0x4000, s31;
	s1 =	sadd.s32 s1, s30  }
0xc2: {  	s0 =	sor.u32 s3, s0;
	s1 =	sshll.u32 s1, $0x11  }
0xc3: {  	s0 =	sor.u32 s1, s0  }
0xc4: {  	s0 =	sadd.s32 $0x8F2B, s0  }
0xc5: {  	[sflag:s0] =	ssyncadd.remote.s32 $0x1  }
0xc6: {  	_ =	sfence.sel $0xFFFF  }
0xc7: {  	[dreg:$0x0] =	wrdreg $0xFFFFFFFF;
	(pc) =	sbr.abs _section_cstart, $3  }
0xc8: {  	[dreg:$0x1] =	wrdreg $0xFFFFFFFF  }
0xc9: {  	_ =	task.clear_ibuf [dreg:s8], $0x2FFFF;
	_ =	strace $0x9FFFFFFF  }
0xca: {  	(tm) =	ssettm $0x7FFFFFFF  }
0xcb: {  	_ =	shalt  }
tec
execute0_lowered:
.L_overlay_start_1:
0x0: {  	(tag) =	ssettag $0x1  }
0x1: {  	s1 =	rddreg [dreg:$0x0]  }
0x2: {  	s6 =	rddreg [dreg:$0x1]  }
0x3: {  	s3 =	rddreg [dreg:$0x2]  }
0x4: {  	s4 =	rddreg [dreg:$0x3]  }
0x5: {  	s0 =	rddreg [dreg:$0x4];
	s5 =	srdreg.scid  }
0x6: {  	s2 =	stileid.u32;
	s12 =	simm.s32 $0x2;
	s13 =	simm.s32 $0x2710  }
0x7: {  	s16 =	simm.s32 $0x50;
	s17 =	simm.s32 $0x4E20;
	s18 =	simm.s32 $0x1  }
0x8: {  	s19 =	simm.s32 $0x0;
	s7 =	sand.u32 $0x1, s5;
	s8 =	sshll.u32 s2, $0x1  }
0x9: {  	s9 =	smul.u32 $0xA000, s2;
	s5 =	simm.s32 $0x0;
	p0 =	seq.s32 s2, $0xF  }
0xa: {  	s14 =	sshll.u32 s2, $0x6;
	s8 =	sor.u32 s7, s8;
	s10 =	smul.u32 $0x9C400, s7  }
0xb: {  	[smem:$0x7FF] =	sst s5;
	s7 =	ssub.s32 $0x2, s7;
	s14 =	sor.u32 $0x1C02, s14  }
0xc: {  	s8 =	smul.u32 $0x4E2, s8;
	_ =	strace $0x8000004A;
	s11 =	sshrl.u32 s7, $0x1  }
0xd: {  	s15 =	sadd.s32 s9, s4;
	s10 =	sadd.s32 s9, s10;
	s11 =	ssub.s32 s7, s11  }
0xe: {  	s9 =	simm.s32 $0xC80;
	s15 =	sshrl.u32 s15, $0x3;
	s10 =	sshrl.u32 s10, $0x3  }
0xf: {  	s8 =	sadd.s32 s8, s6;
	s9 =	simm.s32 @!p0 $0x1400;
	s10 =	sadd.s32 s10, s6  }
0x10: {  	s6 =	sadd.s32 $0xD600, s8;
	s7 =	sadd.s32 $0x3800, s8;
	s8 =	simm.s32 $0xFFFFF380  }
0x11: {  	s11 =	smax.u32 s11, $0x1;
	s8 =	simm.s32 @!p0 $0xFFFFEC00;
	s10 =	sadd.s32 $0x17400, s10  }
.LBB2_1:
0x12: {  	[tilespmem:s5], [sflag:$0x2] =	stream.linear.gather [hbm4b:s6+s5], $0x2710, $0x38;
	[tilespmem:$0xFE60] =	vst v63  }
0x13: {  	_ =	swait.ge [sflag:s12], $0x2710  }
0x14: {  	[sflag:s12] =	ssyncset.done $0x0  }
0x15: {  	[sflag:s12] =	ssyncadd.s32 $0xFFFFD8F0  }
0x16: {  	[tilespmem:s13], [sflag:$0x2] =	stream.linear.gather [hbm4b:s7+s5], $0x2710, $0x38;
	[tilespmem:$0xFE60] =	vst v63  }
0x17: {  	_ =	swait.ge [sflag:s12], $0x2710  }
0x18: {  	[sflag:s12] =	ssyncset.done $0x0  }
0x19: {  	[sflag:s12] =	ssyncadd.s32 $0xFFFFD8F0  }
0x1a: {  	[spmem:s15], [sflag:s14] =	dma.local [hbm:s3], s9  }
0x1b: {  	_ =	swait.ge [sflag:s12], s9  }
0x1c: {  	[sflag:s12] =	ssyncset.done $0x0  }
0x1d: {  	[sflag:s12] =	ssyncadd.s32 s8  }
0x1e: {  	s20 =	simm.s32 $0x0;
	[bflag:$0x0] =	sbarrier.arrive $0xFFFF  }
0x1f: {  	[tilespmem:s17], [sflag:$0x1] =	stream.indirect.gather [hbm4b:s1+s16], $0x40, s20, s16, $0xb8;
	[tilespmem:$0xFE60] =	vst v63  }
0x20: {  	_ =	swait.ge [sflag:s18], $0x1400  }
0x21: {  	[sflag:s18] =	ssyncset.done $0x0  }
0x22: {  	s31 =	simm.s32 $0x2710;
	[sflag:s18] =	ssyncadd.s32 $0xFFFFEC00  }
0x23: {  	[spmem:s4] =	stream.indirect.scatter.add.f32 [tilespmem:s17], [sflag:$0x2], $0x40, s31, s16, $0xb8;
	[tilespmem:$0xFE60] =	vst v63  }
0x24: {  	_ =	swait.ge [sflag:s12], $0x1400  }
0x25: {  	s21 =	simm.s32 $0x280;
	s20 =	simm.s32 $0x140;
	[sflag:s12] =	ssyncset.done $0x0  }
.LBB2_2:
0x26: {  	s22 =	sshra.s32 s20, $0x2  }
0x27: {  	[sflag:s12] =	ssyncadd.s32 $0xFFFFEC00;
	s20 =	smov.u32 s21;
	s23 =	sadd.s32 $0x140, s21  }
0x28: {  	[tilespmem:s17], [sflag:$0x1] =	stream.indirect.gather [hbm4b:s1+s16], $0x40, s22, s16, $0xb8;
	[tilespmem:$0xFE60] =	vst v63  }
0x29: {  	p0 =	sne.s32 s21, $0x9B00;
	_ =	swait.ge [sflag:s18], $0x1400  }
.Ltmp0:
0x2a: {  	[sflag:s18] =	ssyncset.done $0x0;
	(pc) =	sbr.rel @p0 .LBB2_2-.Ltmp0, $4  }
0x2b: {  	s21 =	sadd.s32 $0x2710, s22;
	[sflag:s18] =	ssyncadd.s32 $0xFFFFEC00  }
0x2c: {  	[spmem:s4] =	stream.indirect.scatter.add.f32 [tilespmem:s17], [sflag:$0x2], $0x40, s21, s16, $0xb8;
	[tilespmem:$0xFE60] =	vst v63  }
0x2d: {  	_ =	swait.ge [sflag:s12], $0x1400  }
0x2e: {  	s21 =	smov.u32 s23;
	[sflag:s12] =	ssyncset.done $0x0  }
0x2f: {  	s20 =	sshra.s32 s20, $0x2;
	[sflag:s12] =	ssyncadd.s32 $0xFFFFEC00  }
0x30: {  	[tilespmem:s17], [sflag:$0x1] =	stream.indirect.gather [hbm4b:s1+s16], $0x40, s20, s16, $0xb8;
	[tilespmem:$0xFE60] =	vst v63  }
0x31: {  	_ =	swait.ge [sflag:s18], $0x1400  }
0x32: {  	[sflag:s18] =	ssyncset.done $0x0  }
0x33: {  	s20 =	sadd.s32 $0x2710, s20;
	[sflag:s18] =	ssyncadd.s32 $0xFFFFEC00  }
0x34: {  	[spmem:s4] =	stream.indirect.scatter.add.f32 [tilespmem:s17], [sflag:$0x2], $0x40, s20, s16, $0xb8;
	[tilespmem:$0xFE60] =	vst v63  }
0x35: {  	_ =	swait.ge [sflag:s12], $0x1400  }
0x36: {  	s19 =	sadd.s32 $0x1, s19;
	[sflag:s12] =	ssyncset.done $0x0  }
0x37: {  	p0 =	sne.s32 s19, s11;
	[sflag:s12] =	ssyncadd.s32 $0xFFFFEC00  }
.Ltmp1:
0x38: {  	[bflag:$0x0] =	sbarrier.arrive $0xFFFF;
	(pc) =	sbr.rel @p0 .LBB2_1-.Ltmp1, $4  }
0x39: {  	[hbm:s10], [sflag:s14] =	dma.local [spmem:s15], s9  }
0x3a: {  	_ =	swait.ge [sflag:s12], s9  }
0x3b: {  	[sflag:s12] =	ssyncset.done $0x0  }
0x3c: {  	[sflag:s12] =	ssyncadd.s32 s8  }
0x3d: {  	_ =	sfence.sel $0x180000  }
0x3e: {  	[bflag:$0x0] =	sbarrier.arrive $0xFFFF  }
0x3f: {  	p0 =	sne.s32 s2, $0x0;
	_ =	strace $0x9000004A  }
0x40: {  	s0 =	sadd.s32 @!p0 $0x100000, s0;
	[bflag:$0x2] =	sbarrier.arrive $0xFFFF  }
0x41: {  	[sflag:s0] =	ssyncadd.tile.s32 @!p0 $0x1;
	_ =	shalt  }
.Lfunc_end2:
_tile_overlayer_lowered:
.L_overlay_start_2:
0x42: {  	(tag) =	ssettag $0x2  }
0x43: {  	s0 =	rddreg [dreg:$0x0];
	s2 =	stileid.u32  }
0x44: {  	s1 =	rddreg [dreg:$0x1];
	p0 =	sne.s32 s2, $0x0  }
0x45: {  	s3 =	rddreg [dreg:$0x2];
	[bflag:$0x3] =	sbarrier.arrive $0xFFFF;
	s2 =	simm.s32 @!p0 $0x1C02  }
0x46: {  	[timem:s3], [sflag:s2] =	dma.local @!p0 [hbm:s0], s1  }
0x47: {  	s0 =	simm.s32 @!p0 $0x2  }
0x48: {  	_ =	swait.ge @!p0 [sflag:s0], s1  }
0x49: {  	s1 =	ssub.s32 @!p0 $0x0, s1;
	[sflag:s0] =	ssyncset.done @!p0 $0x0  }
0x4a: {  	[sflag:s0] =	ssyncadd.s32 @!p0 s1  }
0x4b: {  	[bflag:$0x3] =	sbarrier.arrive $0xFFFF  }
0x4c: {  	_ =	shalt  }

// kernel: kernel.17.cloned.1.call-start
scs
__scs_entry_jumppad:
0x0: {  	(pc) =	sbr.rel $0x88, $3  }
0x1: {  	(tag) =	ssettag $0x0;
	lr =	simm.s32 $0x1  }
0x2: {  	[smem:$0x3F90] =	sst lr;
	_ =	strace $0xD0000000  }
0x3: {  	_ = 	snop  }
0x4: {  	_ = 	snop  }
0x5: {  	_ = 	snop  }
0x6: {  	_ = 	snop  }
0x7: {  	_ = 	snop  }
__scs_overlays_trampoline_lowered:
0x8: {  	[smem:$0x3F9F] =	sst s0  }
0x9: {  	[smem:$0x3FA0] =	sst s1  }
0xa: {  	[smem:$0x3FA1] =	sst s2  }
0xb: {  	[smem:$0x3FA2] =	sst s3  }
0xc: {  	[smem:$0x3FA3] =	sst s4  }
0xd: {  	[smem:$0x3FA4] =	sst s5  }
0xe: {  	[smem:$0x3FA5] =	sst s6  }
0xf: {  	[smem:$0x3FA6] =	sst s7  }
0x10: {  	[smem:$0x3FA7] =	sst s8  }
0x11: {  	[smem:$0x3FA8] =	sst s9;
	s0 =	simm.s32 @!p0 $0x0  }
0x12: {  	s1 =	sld [smem:$0x3F8E];
	s0 =	simm.s32 @p0 $0x1  }
0x13: {  	[smem:$0x3FA9] =	sst s0;
	s0 =	simm.s32 @!p1 $0x0  }
0x14: {  	s2 =	sld [smem:$0x3F8D];
	s0 =	simm.s32 @p1 $0x1  }
0x15: {  	[smem:$0x3FAA] =	sst s0;
	s0 =	simm.s32 @!p2 $0x0  }
0x16: {  	s3 =	sld [smem:$0x3FDB];
	s0 =	simm.s32 @p2 $0x1  }
0x17: {  	s4 =	simm.s32 $0x1BF5;
	[smem:$0x3FAC] =	sst s0  }
0x18: {  	s0 =	sld [smem:$0x3F8F];
	_ =	swait.ge [sflag:s4], $0x0  }
0x19: {  	s7 =	sld [smem:$0x3F90]  }
0x1a: {  	s8 =	sadd.s32 $0xFFFFE003, lr  }
0x1b: {  	s9 =	sadd.s32 $0xFFFFFEF7, lr;
	s5 =	simm.s32 $0xFFFFFFFF;
	p2 =	slt.u32 s8, $0xFFFFF086  }
0x1c: {  	p1 =	slt.u32 s9, $0xF7A;
	s5 =	simm.s32 @!p2 $0x0  }
0x1d: {  	s5 =	simm.s32 @p1 $0x1;
	p0 =	seq.s32 s7, s2  }
0x1e: {  	s7 =	smul.u32 @!p0 $0xF7A, s2;
	p2 =	seq.s32 @!p0 s5, $0x0  }
0x1f: {  	s9 =	smul.u32 $0xF7A, s1;
	s8 =	simm.s32 @!p0 $0x1BF5;
	p2 =	por !p2, p0  }
0x20: {  	[sflag:s8] =	ssyncset.s32 @!p0 $0xFFFFF086;
	s6 =	sadd.s32 @!p0 s3, s7;
	s7 =	simm.s32 @!p0 $0x108  }
0x21: {  	s3 =	sadd.s32 s3, s9;
	s6 =	sadd.s32 @!p0 $0x88, s6;
	s7 =	simm.s32 @p2 $0x1082  }
0x22: {  	[simem:s7], [sflag:s8] =	dma.local @!p0 [hbm:s6], $0xF7A  }
0x23: {  	s9 =	sor.u32 $0xD0000000, s2;
	s6 =	simm.s32 $0x108;
	_ =	swait.ge @!p0 [sflag:s8], $0x0  }
0x24: {  	s3 =	sadd.s32 $0x88, s3;
	s6 =	simm.s32 @!p1 $0x1082;
	[sflag:s4] =	ssyncset.s32 $0xFFFFF086  }
0x25: {  	[simem:s6], [sflag:s4] =	dma.local [hbm:s3], $0xF7A  }
0x26: {  	[smem:$0x3F90] =	sst s1;
	(tag) =	ssettag s2;
	_ =	strace s9  }
0x27: {  	s1 =	sld [smem:$0x3FA0]  }
0x28: {  	s2 =	sld [smem:$0x3FA1]  }
0x29: {  	s4 =	sld [smem:$0x3FA3]  }
0x2a: {  	p0 =	seq.s32 s5, $0x0;
	s5 =	sld [smem:$0x3FA4]  }
0x2b: {  	s6 =	sld [smem:$0x3FA5]  }
0x2c: {  	s7 =	sld [smem:$0x3FA6]  }
0x2d: {  	s3 =	simm.s32 $0x108;
	s8 =	sld [smem:$0x3FA7]  }
0x2e: {  	s3 =	simm.s32 @!p0 $0x1082;
	s9 =	sld [smem:$0x3FA8]  }
0x2f: {  	lr =	sadd.s32 s0, s3;
	s0 =	sld [smem:$0x3F9F]  }
0x30: {  	s3 =	sld [smem:$0x3FA2]  }
0x31: {  	[smem:$0x3FAB] =	sst s10  }
0x32: {  	s10 =	sld [smem:$0x3FA9];
	_ =	sdelay $0x3  }
0x33: {  	p0 =	seq.s32 s10, $0x1;
	s10 =	sld [smem:$0x3FAB];
	_ =	sdelay $0x3  }
0x34: {  	[smem:$0x3FAB] =	sst s10  }
0x35: {  	s10 =	sld [smem:$0x3FAA];
	_ =	sdelay $0x3  }
0x36: {  	p1 =	seq.s32 s10, $0x1;
	s10 =	sld [smem:$0x3FAB];
	_ =	sdelay $0x3  }
0x37: {  	[smem:$0x3FAB] =	sst s10  }
0x38: {  	s10 =	sld [smem:$0x3FAC]  }
0x39: {  	_ = 	snop;
	(pc) =	sbr.ind lr, $3  }
0x3a: {  	_ = 	snop  }
0x3b: {  	_ = 	snop  }
0x3c: {  	p2 =	seq.s32 s10, $0x1;
	s10 =	sld [smem:$0x3FAB]  }
0x3d: {  	_ =	shalt  }
0x3e: {  	_ =	shalt  }
0x3f: {  	_ =	shalt  }
0x40: {  	_ =	shalt  }
0x41: {  	_ =	shalt  }
0x42: {  	_ =	shalt  }
0x43: {  	_ =	shalt  }
0x44: {  	_ =	shalt  }
0x45: {  	_ =	shalt  }
0x46: {  	_ =	shalt  }
0x47: {  	_ =	shalt  }
0x48: {  	_ =	shalt  }
0x49: {  	_ =	shalt  }
0x4a: {  	_ =	shalt  }
0x4b: {  	_ =	shalt  }
0x4c: {  	_ =	shalt  }
0x4d: {  	_ =	shalt  }
0x4e: {  	_ =	shalt  }
0x4f: {  	_ =	shalt  }
0x50: {  	_ =	shalt  }
0x51: {  	_ =	shalt  }
0x52: {  	_ =	shalt  }
0x53: {  	_ =	shalt  }
0x54: {  	_ =	shalt  }
0x55: {  	_ =	shalt  }
0x56: {  	_ =	shalt  }
0x57: {  	_ =	shalt  }
0x58: {  	_ =	shalt  }
0x59: {  	_ =	shalt  }
0x5a: {  	_ =	shalt  }
0x5b: {  	_ =	shalt  }
0x5c: {  	_ =	shalt  }
0x5d: {  	_ =	shalt  }
0x5e: {  	_ =	shalt  }
0x5f: {  	_ =	shalt  }
0x60: {  	_ =	shalt  }
0x61: {  	_ =	shalt  }
0x62: {  	_ =	shalt  }
0x63: {  	_ =	shalt  }
0x64: {  	_ =	shalt  }
0x65: {  	_ =	shalt  }
0x66: {  	_ =	shalt  }
0x67: {  	_ =	shalt  }
0x68: {  	_ =	shalt  }
0x69: {  	_ =	shalt  }
0x6a: {  	_ =	shalt  }
0x6b: {  	_ =	shalt  }
0x6c: {  	_ =	shalt  }
0x6d: {  	_ =	shalt  }
0x6e: {  	_ =	shalt  }
0x6f: {  	_ =	shalt  }
0x70: {  	_ =	shalt  }
0x71: {  	_ =	shalt  }
0x72: {  	_ =	shalt  }
0x73: {  	_ =	shalt  }
0x74: {  	_ =	shalt  }
0x75: {  	_ =	shalt  }
0x76: {  	_ =	shalt  }
0x77: {  	_ =	shalt  }
0x78: {  	_ =	shalt  }
0x79: {  	_ =	shalt  }
0x7a: {  	_ =	shalt  }
0x7b: {  	_ =	shalt  }
0x7c: {  	_ =	shalt  }
0x7d: {  	_ =	shalt  }
0x7e: {  	_ =	shalt  }
0x7f: {  	_ =	shalt  }
0x80: {  	_ =	shalt  }
0x81: {  	_ =	shalt  }
0x82: {  	_ =	shalt  }
0x83: {  	_ =	shalt  }
0x84: {  	_ =	shalt  }
0x85: {  	_ =	shalt  }
0x86: {  	_ =	shalt  }
0x87: {  	_ =	shalt  }
.Lfunc_end0:
.L_simem_size_0:
called_computation.2_lowered:
.L_overlay_start_0:
0x88: {  	s2 =	sld [smem:$0x3FD9]  }
0x89: {  	s3 =	sld [smem:$0x3FFE];
	_ =	sdelay $0x1  }
0x8a: {  	s1 =	srdreg.scid  }
0x8b: {  	s0 =	sand.u32 $0x1, s1  }
0x8c: {  	s14 =	sshll.u32 s0, $0xA;
	s2 =	sadd.s32 s3, s2  }
0x8d: {  	s2 =	sadd.s32 s2, s14  }
0x8e: {  	[smem:$0x3FB7] =	sst s2  }
0x8f: {  	_ = 	snop  }
0x90: {  	s2 =	sld [smem:$0x3FD0];
	_ =	sdelay $0x2  }
0x91: {  	s15 =	simm.s32 $0xA;
	s4 =	simm.s32 $0x10  }
0x92: {  	[smem:s4], [sflag:s15] =	dma.local [hbm:s2], $0x1  }
0x93: {  	_ =	swait.eq [sflag:s15], $0x1  }
0x94: {  	[sflag:s15] =	ssyncset.done $0x0  }
0x95: {  	[sflag:s15] =	ssyncadd.s32 $0xFFFFFFFF  }
0x96: {  	s16 =	sld [smem:$0x12];
	(tm) =	ssettm $0x1  }
0x97: {  	s17 =	sld [smem:$0x3FFB];
	_ =	sdelay $0x3  }
0x98: {  	_ =	strace s17  }
0x99: {  	s3 =	sld [smem:$0x3FFC];
	_ =	sdelay $0x3  }
0x9a: {  	_ =	strace s3  }
0x9b: {  	s3 =	sld [smem:$0x3FFD];
	_ =	sdelay $0x3  }
0x9c: {  	_ =	strace s3  }
0x9d: {  	_ =	strace $0x8FFFFFFF  }
0x9e: {  	s18 =	sld [smem:$0x3FDB];
	_ =	sdelay $0x1  }
0x9f: {  	s19 =	simm.s32 $_scs_section_size  }
0xa0: {  	s5 =	simm.s32 $_size__tile_overlayer_lowered;
	s6 =	simm.s32 $_tile_overlayer_lowered  }
0xa1: {  	s22 =	simm.s32 $0x1BFF;
	s21 =	sshll.u32 s6, $0x1;
	s3 =	sadd.s32 s19, s18  }
0xa2: {  	s7 =	simm.s32 $0x0;
	s20 =	sshll.u32 s5, $0x1;
	s5 =	sadd.s32 s21, s3  }
0xa3: {  	[timem:s7], [sflag:s22] =	dma.local [hbm:s5], s20  }
0xa4: {  	_ =	swait.ge [sflag:s22], s20  }
0xa5: {  	s4 =	ssub.s32 $0x0, s20;
	[sflag:s22] =	ssyncset.done $0x0  }
0xa6: {  	[sflag:s22] =	ssyncadd.s32 s4;
	_ =	sdelay $0x1  }
0xa7: {  	s23 =	simm.s32 $0x1B8B  }
0xa8: {  	_ =	swait.ge [sflag:s23], $0x1  }
0xa9: {  	[sflag:s23] =	ssyncset.done $0x0  }
0xaa: {  	s25 =	simm.s32 $0x1B8E;
	s24 =	sld [smem:$0x3FFE];
	[sflag:s23] =	ssyncadd.s32 $0xFFFFFFFF  }
0xab: {  	s26 =	simm.s32 $execute0_lowered;
	[smem:$0x3FD2] =	sst s25  }
0xac: {  	s5 =	sshll.u32 s26, $0x1;
	_ =	strace $0x8000004C;
	[dreg:$0x1] =	wrdreg $0xFFFFFFFF  }
0xad: {  	s28 =	simm.s32 $_size_execute0_lowered;
	s3 =	sadd.s32 s3, s5;
	[dreg:$0x0] =	wrdreg $0x0  }
0xae: {  	s5 =	sshll.u32 s28, $0x1;
	[dreg:$0x2] =	wrdreg s3  }
0xaf: {  	[dreg:$0x3] =	wrdreg s5  }
0xb0: {  	[dreg:$0x4] =	wrdreg $0xC0  }
0xb1: {  	_ =	task [dreg:s7], $0x5FFFF  }
0xb2: {  	[dreg:$0x1] =	wrdreg $0xFFFFFFFF  }
0xb3: {  	[dreg:$0x0] =	wrdreg $0x60  }
0xb4: {  	[dreg:$0x2] =	wrdreg s16  }
0xb5: {  	[dreg:$0x3] =	wrdreg s24  }
0xb6: {  	[dreg:$0x4] =	wrdreg $0x9  }
0xb7: {  	_ =	task.clear_ibuf [dreg:s7], $0x5FFFF;
	_ =	strace $0x9000004C  }
0xb8: {  	s29 =	simm.s32 $0x9;
	_ =	strace $0x8000004E  }
0xb9: {  	_ =	swait.ge [sflag:s29], $0x1  }
0xba: {  	[sflag:s29] =	ssyncadd.s32 $0xFFFFFFFF  }
0xbb: {  	_ =	strace $0x9000004E  }
0xbc: {  	_ =	sfence  }
0xbd: {  	s30 =	sld [smem:$0x0];
	_ =	sdelay $0x2  }
0xbe: {  	s31 =	sshll.u32 s1, $0xD;
	s1 =	sshrl.u32 s1, $0x2  }
0xbf: {  	s3 =	sand.u32 $0x4000, s31;
	s1 =	sadd.s32 s1, s30  }
0xc0: {  	s0 =	sor.u32 s3, s0;
	s1 =	sshll.u32 s1, $0x11  }
0xc1: {  	s0 =	sor.u32 s1, s0  }
0xc2: {  	s0 =	sadd.s32 $0x8F2B, s0  }
0xc3: {  	[sflag:s0] =	ssyncadd.remote.s32 $0x1  }
0xc4: {  	_ =	sfence.sel $0xFFFF  }
0xc5: {  	[dreg:$0x0] =	wrdreg $0xFFFFFFFF;
	(pc) =	sbr.abs _section_cstart, $3  }
0xc6: {  	[dreg:$0x1] =	wrdreg $0xFFFFFFFF  }
0xc7: {  	_ =	task.clear_ibuf [dreg:s7], $0x2FFFF;
	_ =	strace $0x9FFFFFFF  }
0xc8: {  	(tm) =	ssettm $0x7FFFFFFF  }
0xc9: {  	_ =	shalt  }
tec
execute0_lowered:
.L_overlay_start_1:
0x0: {  	(tag) =	ssettag $0x1  }
0x1: {  	s2 =	rddreg [dreg:$0x0];
	s1 =	srdreg.scid  }
0x2: {  	s0 =	stileid.u32;
	s4 =	rddreg [dreg:$0x1]  }
0x3: {  	s3 =	simm.s32 $0x0;
	s10 =	simm.s32 $0x2710;
	s11 =	simm.s32 $0x50  }
0x4: {  	s12 =	simm.s32 $0x4E20;
	s13 =	simm.s32 $0x6220;
	s14 =	simm.s32 $0x1  }
0x5: {  	s15 =	simm.s32 $0x2;
	s5 =	sand.u32 $0x1, s1;
	s6 =	sshll.u32 s0, $0x1  }
0x6: {  	s1 =	rddreg [dreg:$0x2];
	s7 =	smul.u32 $0x27100, s0;
	s6 =	sor.u32 s5, s6  }
0x7: {  	s16 =	simm.s32 $0x0;
	[smem:$0x7FF] =	sst s3;
	s6 =	smul.u32 $0x2710, s6  }
0x8: {  	_ =	strace $0x8000004D;
	s8 =	ssub.s32 $0x2, s5;
	s5 =	smul.u32 $0x13880, s5  }
0x9: {  	s7 =	sadd.s32 s7, s4;
	s31 =	sshrl.u32 s8, $0x1;
	s6 =	sshrl.u32 s6, $0x3  }
0xa: {  	s8 =	ssub.s32 s8, s31;
	s9 =	sadd.s32 s5, s7;
	s6 =	sadd.s32 s6, s4  }
0xb: {  	s7 =	sadd.s32 $0x3E600, s9;
	s4 =	sadd.s32 $0xD600, s6;
	s5 =	sadd.s32 $0x3800, s6  }
0xc: {  	s6 =	smax.u32 s8, $0x1;
	s8 =	sadd.s32 $0x2AF600, s9;
	s9 =	simm.s32 $0x3  }
.LBB2_1:
0xd: {  	[tilespmem:s3], [sflag:$0x3] =	stream.linear.gather [hbm4b:s4+s3], $0x2710, $0x38;
	[tilespmem:$0x7620] =	vst v63  }
0xe: {  	_ =	swait.ge [sflag:s9], $0x2710  }
0xf: {  	[sflag:s9] =	ssyncset.done $0x0  }
0x10: {  	[sflag:s9] =	ssyncadd.s32 $0xFFFFD8F0  }
0x11: {  	[tilespmem:s10], [sflag:$0x3] =	stream.linear.gather [hbm4b:s5+s3], $0x2710, $0x38;
	[tilespmem:$0x7620] =	vst v63  }
0x12: {  	_ =	swait.ge [sflag:s9], $0x2710  }
0x13: {  	[sflag:s9] =	ssyncset.done $0x0  }
0x14: {  	s17 =	simm.s32 $0x0;
	[sflag:s9] =	ssyncadd.s32 $0xFFFFD8F0  }
0x15: {  	[tilespmem:s12], [sflag:$0x1] =	stream.indirect.gather [hbm4b:s2+s11], $0x40, s17, s11, $0xb8;
	[tilespmem:$0x7620] =	vst v63  }
0x16: {  	s31 =	simm.s32 $0x2710  }
0x17: {  	[tilespmem:s13], [sflag:$0x2] =	stream.indirect.gather [hbm4b:s2+s11], $0x40, s31, s11, $0xb8;
	[tilespmem:$0x7620] =	vst v63  }
0x18: {  	_ =	swait.ge [sflag:s14], $0x1400  }
0x19: {  	[sflag:s14] =	ssyncset.done $0x0  }
0x1a: {  	[sflag:s14] =	ssyncadd.s32 $0xFFFFEC00  }
0x1b: {  	[hbm4b:s8+s3] =	stream.linear.scatter [tilespmem:s12], [sflag:$0x3], $0x1400, $0x38;
	[tilespmem:$0x7620] =	vst v63  }
0x1c: {  	_ =	swait.ge [sflag:s9], $0x1400  }
0x1d: {  	[sflag:s9] =	ssyncset.done $0x0  }
0x1e: {  	[sflag:s9] =	ssyncadd.s32 $0xFFFFEC00  }
0x1f: {  	_ =	swait.ge [sflag:s15], $0x1400  }
0x20: {  	[sflag:s15] =	ssyncset.done $0x0  }
0x21: {  	[sflag:s15] =	ssyncadd.s32 $0xFFFFEC00  }
0x22: {  	[hbm4b:s7+s3] =	stream.linear.scatter [tilespmem:s13], [sflag:$0x3], $0x1400, $0x38;
	[tilespmem:$0x7620] =	vst v63  }
0x23: {  	s19 =	simm.s32 $0x140;
	s20 =	simm.s32 $0x280;
	_ =	swait.ge [sflag:s9], $0x1400  }
0x24: {  	s18 =	sadd.s32 $0x280, s8;
	s17 =	sadd.s32 $0x280, s7;
	[sflag:s9] =	ssyncset.done $0x0  }
.LBB2_2:
0x25: {  	s21 =	sshra.s32 s19, $0x2  }
0x26: {  	[sflag:s9] =	ssyncadd.s32 $0xFFFFEC00;
	s19 =	smov.u32 s20;
	s22 =	sadd.s32 $0x140, s20  }
0x27: {  	[tilespmem:s12], [sflag:$0x1] =	stream.indirect.gather [hbm4b:s2+s11], $0x40, s21, s11, $0xb8;
	[tilespmem:$0x7620] =	vst v63  }
0x28: {  	p0 =	sne.s32 s20, $0x9B00;
	s20 =	sadd.s32 $0x2710, s21  }
0x29: {  	[tilespmem:s13], [sflag:$0x2] =	stream.indirect.gather [hbm4b:s2+s11], $0x40, s20, s11, $0xb8;
	[tilespmem:$0x7620] =	vst v63  }
0x2a: {  	_ =	swait.ge [sflag:s14], $0x1400  }
0x2b: {  	[sflag:s14] =	ssyncset.done $0x0  }
0x2c: {  	[sflag:s14] =	ssyncadd.s32 $0xFFFFEC00  }
0x2d: {  	[hbm4b:s18+s3] =	stream.linear.scatter [tilespmem:s12], [sflag:$0x3], $0x1400, $0x38;
	[tilespmem:$0x7620] =	vst v63  }
0x2e: {  	_ =	swait.ge [sflag:s9], $0x1400  }
0x2f: {  	[sflag:s9] =	ssyncset.done $0x0  }
0x30: {  	[sflag:s9] =	ssyncadd.s32 $0xFFFFEC00  }
0x31: {  	_ =	swait.ge [sflag:s15], $0x1400  }
.Ltmp0:
0x32: {  	[sflag:s15] =	ssyncset.done $0x0;
	(pc) =	sbr.rel @p0 .LBB2_2-.Ltmp0, $4  }
0x33: {  	[sflag:s15] =	ssyncadd.s32 $0xFFFFEC00  }
0x34: {  	[hbm4b:s17+s3] =	stream.linear.scatter [tilespmem:s13], [sflag:$0x3], $0x1400, $0x38;
	[tilespmem:$0x7620] =	vst v63  }
0x35: {  	s20 =	smov.u32 s22;
	_ =	swait.ge [sflag:s9], $0x1400  }
0x36: {  	s18 =	sadd.s32 $0x280, s18;
	s17 =	sadd.s32 $0x280, s17;
	[sflag:s9] =	ssyncset.done $0x0  }
0x37: {  	s19 =	sshra.s32 s19, $0x2;
	[sflag:s9] =	ssyncadd.s32 $0xFFFFEC00  }
0x38: {  	[tilespmem:s12], [sflag:$0x1] =	stream.indirect.gather [hbm4b:s2+s11], $0x40, s19, s11, $0xb8;
	[tilespmem:$0x7620] =	vst v63  }
0x39: {  	s19 =	sadd.s32 $0x2710, s19  }
0x3a: {  	[tilespmem:s13], [sflag:$0x2] =	stream.indirect.gather [hbm4b:s2+s11], $0x40, s19, s11, $0xb8;
	[tilespmem:$0x7620] =	vst v63  }
0x3b: {  	_ =	swait.ge [sflag:s14], $0x1400  }
0x3c: {  	[sflag:s14] =	ssyncset.done $0x0  }
0x3d: {  	[sflag:s14] =	ssyncadd.s32 $0xFFFFEC00  }
0x3e: {  	[hbm4b:s18+s3] =	stream.linear.scatter [tilespmem:s12], [sflag:$0x3], $0x1400, $0x38;
	[tilespmem:$0x7620] =	vst v63  }
0x3f: {  	_ =	swait.ge [sflag:s9], $0x1400  }
0x40: {  	[sflag:s9] =	ssyncset.done $0x0  }
0x41: {  	[sflag:s9] =	ssyncadd.s32 $0xFFFFEC00  }
0x42: {  	s16 =	sadd.s32 $0x1, s16;
	_ =	swait.ge [sflag:s15], $0x1400  }
0x43: {  	p0 =	sne.s32 s16, s6;
	[sflag:s15] =	ssyncset.done $0x0  }
.Ltmp1:
0x44: {  	[sflag:s15] =	ssyncadd.s32 $0xFFFFEC00;
	(pc) =	sbr.rel @p0 .LBB2_1-.Ltmp1, $4  }
0x45: {  	[hbm4b:s17+s3] =	stream.linear.scatter [tilespmem:s13], [sflag:$0x3], $0x1400, $0x38;
	[tilespmem:$0x7620] =	vst v63  }
0x46: {  	_ =	swait.ge [sflag:s9], $0x1400  }
0x47: {  	[sflag:s9] =	ssyncset.done $0x0  }
0x48: {  	[sflag:s9] =	ssyncadd.s32 $0xFFFFEC00  }
0x49: {  	_ =	sfence.sel $0x180000  }
0x4a: {  	[bflag:$0x0] =	sbarrier.arrive $0xFFFF  }
0x4b: {  	p0 =	sne.s32 s0, $0x0;
	_ =	strace $0x9000004D  }
0x4c: {  	s0 =	sadd.s32 @!p0 $0x100000, s1;
	[bflag:$0x2] =	sbarrier.arrive $0xFFFF  }
0x4d: {  	[sflag:s0] =	ssyncadd.tile.s32 @!p0 $0x1;
	_ =	shalt  }
.Lfunc_end2:
_tile_overlayer_lowered:
.L_overlay_start_2:
0x4e: {  	(tag) =	ssettag $0x2  }
0x4f: {  	s0 =	rddreg [dreg:$0x0];
	s2 =	stileid.u32  }
0x50: {  	s1 =	rddreg [dreg:$0x1];
	p0 =	sne.s32 s2, $0x0  }
0x51: {  	s3 =	rddreg [dreg:$0x2];
	[bflag:$0x3] =	sbarrier.arrive $0xFFFF;
	s2 =	simm.s32 @!p0 $0x1C03  }
0x52: {  	[timem:s3], [sflag:s2] =	dma.local @!p0 [hbm:s0], s1  }
0x53: {  	s0 =	simm.s32 @!p0 $0x3  }
0x54: {  	_ =	swait.ge @!p0 [sflag:s0], s1  }
0x55: {  	s1 =	ssub.s32 @!p0 $0x0, s1;
	[sflag:s0] =	ssyncset.done @!p0 $0x0  }
0x56: {  	[sflag:s0] =	ssyncadd.s32 @!p0 s1  }
0x57: {  	[bflag:$0x3] =	sbarrier.arrive $0xFFFF  }
0x58: {  	_ =	shalt  }

// kernel: kernel.20.cloned.1.call-start
scs
__scs_entry_jumppad:
0x0: {  	(pc) =	sbr.rel $0x88, $3  }
0x1: {  	(tag) =	ssettag $0x0;
	lr =	simm.s32 $0x1  }
0x2: {  	[smem:$0x3F90] =	sst lr;
	_ =	strace $0xD0000000  }
0x3: {  	_ = 	snop  }
0x4: {  	_ = 	snop  }
0x5: {  	_ = 	snop  }
0x6: {  	_ = 	snop  }
0x7: {  	_ = 	snop  }
__scs_overlays_trampoline_lowered:
0x8: {  	[smem:$0x3F9F] =	sst s0  }
0x9: {  	[smem:$0x3FA0] =	sst s1  }
0xa: {  	[smem:$0x3FA1] =	sst s2  }
0xb: {  	[smem:$0x3FA2] =	sst s3  }
0xc: {  	[smem:$0x3FA3] =	sst s4  }
0xd: {  	[smem:$0x3FA4] =	sst s5  }
0xe: {  	[smem:$0x3FA5] =	sst s6  }
0xf: {  	[smem:$0x3FA6] =	sst s7  }
0x10: {  	[smem:$0x3FA7] =	sst s8  }
0x11: {  	[smem:$0x3FA8] =	sst s9;
	s0 =	simm.s32 @!p0 $0x0  }
0x12: {  	s1 =	sld [smem:$0x3F8E];
	s0 =	simm.s32 @p0 $0x1  }
0x13: {  	[smem:$0x3FA9] =	sst s0;
	s0 =	simm.s32 @!p1 $0x0  }
0x14: {  	s2 =	sld [smem:$0x3F8D];
	s0 =	simm.s32 @p1 $0x1  }
0x15: {  	[smem:$0x3FAA] =	sst s0;
	s0 =	simm.s32 @!p2 $0x0  }
0x16: {  	s3 =	sld [smem:$0x3FDB];
	s0 =	simm.s32 @p2 $0x1  }
0x17: {  	s4 =	simm.s32 $0x1BF5;
	[smem:$0x3FAC] =	sst s0  }
0x18: {  	s0 =	sld [smem:$0x3F8F];
	_ =	swait.ge [sflag:s4], $0x0  }
0x19: {  	s7 =	sld [smem:$0x3F90]  }
0x1a: {  	s8 =	sadd.s32 $0xFFFFE003, lr  }
0x1b: {  	s9 =	sadd.s32 $0xFFFFFEF7, lr;
	s5 =	simm.s32 $0xFFFFFFFF;
	p2 =	slt.u32 s8, $0xFFFFF086  }
0x1c: {  	p1 =	slt.u32 s9, $0xF7A;
	s5 =	simm.s32 @!p2 $0x0  }
0x1d: {  	s5 =	simm.s32 @p1 $0x1;
	p0 =	seq.s32 s7, s2  }
0x1e: {  	s7 =	smul.u32 @!p0 $0xF7A, s2;
	p2 =	seq.s32 @!p0 s5, $0x0  }
0x1f: {  	s9 =	smul.u32 $0xF7A, s1;
	s8 =	simm.s32 @!p0 $0x1BF5;
	p2 =	por !p2, p0  }
0x20: {  	[sflag:s8] =	ssyncset.s32 @!p0 $0xFFFFF086;
	s6 =	sadd.s32 @!p0 s3, s7;
	s7 =	simm.s32 @!p0 $0x108  }
0x21: {  	s3 =	sadd.s32 s3, s9;
	s6 =	sadd.s32 @!p0 $0x88, s6;
	s7 =	simm.s32 @p2 $0x1082  }
0x22: {  	[simem:s7], [sflag:s8] =	dma.local @!p0 [hbm:s6], $0xF7A  }
0x23: {  	s9 =	sor.u32 $0xD0000000, s2;
	s6 =	simm.s32 $0x108;
	_ =	swait.ge @!p0 [sflag:s8], $0x0  }
0x24: {  	s3 =	sadd.s32 $0x88, s3;
	s6 =	simm.s32 @!p1 $0x1082;
	[sflag:s4] =	ssyncset.s32 $0xFFFFF086  }
0x25: {  	[simem:s6], [sflag:s4] =	dma.local [hbm:s3], $0xF7A  }
0x26: {  	[smem:$0x3F90] =	sst s1;
	(tag) =	ssettag s2;
	_ =	strace s9  }
0x27: {  	s1 =	sld [smem:$0x3FA0]  }
0x28: {  	s2 =	sld [smem:$0x3FA1]  }
0x29: {  	s4 =	sld [smem:$0x3FA3]  }
0x2a: {  	p0 =	seq.s32 s5, $0x0;
	s5 =	sld [smem:$0x3FA4]  }
0x2b: {  	s6 =	sld [smem:$0x3FA5]  }
0x2c: {  	s7 =	sld [smem:$0x3FA6]  }
0x2d: {  	s3 =	simm.s32 $0x108;
	s8 =	sld [smem:$0x3FA7]  }
0x2e: {  	s3 =	simm.s32 @!p0 $0x1082;
	s9 =	sld [smem:$0x3FA8]  }
0x2f: {  	lr =	sadd.s32 s0, s3;
	s0 =	sld [smem:$0x3F9F]  }
0x30: {  	s3 =	sld [smem:$0x3FA2]  }
0x31: {  	[smem:$0x3FAB] =	sst s10  }
0x32: {  	s10 =	sld [smem:$0x3FA9];
	_ =	sdelay $0x3  }
0x33: {  	p0 =	seq.s32 s10, $0x1;
	s10 =	sld [smem:$0x3FAB];
	_ =	sdelay $0x3  }
0x34: {  	[smem:$0x3FAB] =	sst s10  }
0x35: {  	s10 =	sld [smem:$0x3FAA];
	_ =	sdelay $0x3  }
0x36: {  	p1 =	seq.s32 s10, $0x1;
	s10 =	sld [smem:$0x3FAB];
	_ =	sdelay $0x3  }
0x37: {  	[smem:$0x3FAB] =	sst s10  }
0x38: {  	s10 =	sld [smem:$0x3FAC]  }
0x39: {  	_ = 	snop;
	(pc) =	sbr.ind lr, $3  }
0x3a: {  	_ = 	snop  }
0x3b: {  	_ = 	snop  }
0x3c: {  	p2 =	seq.s32 s10, $0x1;
	s10 =	sld [smem:$0x3FAB]  }
0x3d: {  	_ =	shalt  }
0x3e: {  	_ =	shalt  }
0x3f: {  	_ =	shalt  }
0x40: {  	_ =	shalt  }
0x41: {  	_ =	shalt  }
0x42: {  	_ =	shalt  }
0x43: {  	_ =	shalt  }
0x44: {  	_ =	shalt  }
0x45: {  	_ =	shalt  }
0x46: {  	_ =	shalt  }
0x47: {  	_ =	shalt  }
0x48: {  	_ =	shalt  }
0x49: {  	_ =	shalt  }
0x4a: {  	_ =	shalt  }
0x4b: {  	_ =	shalt  }
0x4c: {  	_ =	shalt  }
0x4d: {  	_ =	shalt  }
0x4e: {  	_ =	shalt  }
0x4f: {  	_ =	shalt  }
0x50: {  	_ =	shalt  }
0x51: {  	_ =	shalt  }
0x52: {  	_ =	shalt  }
0x53: {  	_ =	shalt  }
0x54: {  	_ =	shalt  }
0x55: {  	_ =	shalt  }
0x56: {  	_ =	shalt  }
0x57: {  	_ =	shalt  }
0x58: {  	_ =	shalt  }
0x59: {  	_ =	shalt  }
0x5a: {  	_ =	shalt  }
0x5b: {  	_ =	shalt  }
0x5c: {  	_ =	shalt  }
0x5d: {  	_ =	shalt  }
0x5e: {  	_ =	shalt  }
0x5f: {  	_ =	shalt  }
0x60: {  	_ =	shalt  }
0x61: {  	_ =	shalt  }
0x62: {  	_ =	shalt  }
0x63: {  	_ =	shalt  }
0x64: {  	_ =	shalt  }
0x65: {  	_ =	shalt  }
0x66: {  	_ =	shalt  }
0x67: {  	_ =	shalt  }
0x68: {  	_ =	shalt  }
0x69: {  	_ =	shalt  }
0x6a: {  	_ =	shalt  }
0x6b: {  	_ =	shalt  }
0x6c: {  	_ =	shalt  }
0x6d: {  	_ =	shalt  }
0x6e: {  	_ =	shalt  }
0x6f: {  	_ =	shalt  }
0x70: {  	_ =	shalt  }
0x71: {  	_ =	shalt  }
0x72: {  	_ =	shalt  }
0x73: {  	_ =	shalt  }
0x74: {  	_ =	shalt  }
0x75: {  	_ =	shalt  }
0x76: {  	_ =	shalt  }
0x77: {  	_ =	shalt  }
0x78: {  	_ =	shalt  }
0x79: {  	_ =	shalt  }
0x7a: {  	_ =	shalt  }
0x7b: {  	_ =	shalt  }
0x7c: {  	_ =	shalt  }
0x7d: {  	_ =	shalt  }
0x7e: {  	_ =	shalt  }
0x7f: {  	_ =	shalt  }
0x80: {  	_ =	shalt  }
0x81: {  	_ =	shalt  }
0x82: {  	_ =	shalt  }
0x83: {  	_ =	shalt  }
0x84: {  	_ =	shalt  }
0x85: {  	_ =	shalt  }
0x86: {  	_ =	shalt  }
0x87: {  	_ =	shalt  }
.Lfunc_end0:
.L_simem_size_0:
called_computation.3_lowered:
.L_overlay_start_0:
0x88: {  	s2 =	sld [smem:$0x3FD9]  }
0x89: {  	s3 =	sld [smem:$0x3FFE];
	_ =	sdelay $0x1  }
0x8a: {  	s1 =	srdreg.scid  }
0x8b: {  	s0 =	sand.u32 $0x1, s1  }
0x8c: {  	s14 =	sshll.u32 s0, $0xA;
	s2 =	sadd.s32 s3, s2  }
0x8d: {  	s2 =	sadd.s32 s2, s14  }
0x8e: {  	[smem:$0x3FB7] =	sst s2  }
0x8f: {  	_ = 	snop  }
0x90: {  	s2 =	sld [smem:$0x3FD0];
	_ =	sdelay $0x2  }
0x91: {  	s15 =	simm.s32 $0xA;
	s4 =	simm.s32 $0x10  }
0x92: {  	[smem:s4], [sflag:s15] =	dma.local [hbm:s2], $0x1  }
0x93: {  	_ =	swait.eq [sflag:s15], $0x1  }
0x94: {  	[sflag:s15] =	ssyncset.done $0x0  }
0x95: {  	[sflag:s15] =	ssyncadd.s32 $0xFFFFFFFF  }
0x96: {  	s16 =	sld [smem:$0x10];
	(tm) =	ssettm $0x1  }
0x97: {  	s17 =	sld [smem:$0x3FFB];
	_ =	sdelay $0x3  }
0x98: {  	_ =	strace s17  }
0x99: {  	s3 =	sld [smem:$0x3FFC];
	_ =	sdelay $0x3  }
0x9a: {  	_ =	strace s3  }
0x9b: {  	s3 =	sld [smem:$0x3FFD];
	_ =	sdelay $0x3  }
0x9c: {  	_ =	strace s3  }
0x9d: {  	_ =	strace $0x8FFFFFFF  }
0x9e: {  	s18 =	sld [smem:$0x3FDB];
	_ =	sdelay $0x1  }
0x9f: {  	s19 =	simm.s32 $_scs_section_size  }
0xa0: {  	s5 =	simm.s32 $_size__tile_overlayer_lowered;
	s6 =	simm.s32 $_tile_overlayer_lowered  }
0xa1: {  	s22 =	simm.s32 $0x1BFF;
	s21 =	sshll.u32 s6, $0x1;
	s3 =	sadd.s32 s19, s18  }
0xa2: {  	s7 =	simm.s32 $0x0;
	s20 =	sshll.u32 s5, $0x1;
	s5 =	sadd.s32 s21, s3  }
0xa3: {  	[timem:s7], [sflag:s22] =	dma.local [hbm:s5], s20  }
0xa4: {  	_ =	swait.ge [sflag:s22], s20  }
0xa5: {  	s4 =	ssub.s32 $0x0, s20;
	[sflag:s22] =	ssyncset.done $0x0  }
0xa6: {  	[sflag:s22] =	ssyncadd.s32 s4;
	_ =	sdelay $0x1  }
0xa7: {  	s23 =	simm.s32 $0x1B8B  }
0xa8: {  	_ =	swait.ge [sflag:s23], $0x1  }
0xa9: {  	[sflag:s23] =	ssyncset.done $0x0  }
0xaa: {  	s25 =	simm.s32 $0x1B8E;
	s24 =	sld [smem:$0x3FFE];
	[sflag:s23] =	ssyncadd.s32 $0xFFFFFFFF  }
0xab: {  	s26 =	simm.s32 $execute0_lowered;
	[smem:$0x3FD2] =	sst s25  }
0xac: {  	s5 =	sshll.u32 s26, $0x1;
	_ =	strace $0x8000004F;
	[dreg:$0x1] =	wrdreg $0xFFFFFFFF  }
0xad: {  	s28 =	simm.s32 $_size_execute0_lowered;
	s3 =	sadd.s32 s3, s5;
	[dreg:$0x0] =	wrdreg $0x0  }
0xae: {  	s5 =	sshll.u32 s28, $0x1;
	[dreg:$0x2] =	wrdreg s3  }
0xaf: {  	[dreg:$0x3] =	wrdreg s5  }
0xb0: {  	[dreg:$0x4] =	wrdreg $0xC0  }
0xb1: {  	_ =	task [dreg:s7], $0x5FFFF  }
0xb2: {  	[dreg:$0x1] =	wrdreg $0xFFFFFFFF  }
0xb3: {  	[dreg:$0x0] =	wrdreg $0x60  }
0xb4: {  	[dreg:$0x2] =	wrdreg s16  }
0xb5: {  	[dreg:$0x3] =	wrdreg s24  }
0xb6: {  	[dreg:$0x4] =	wrdreg $0x75300  }
0xb7: {  	[dreg:$0x5] =	wrdreg $0x9  }
0xb8: {  	_ =	task.clear_ibuf [dreg:s7], $0x6FFFF;
	_ =	strace $0x9000004F  }
0xb9: {  	s29 =	simm.s32 $0x9;
	_ =	strace $0x80000051  }
0xba: {  	_ =	swait.ge [sflag:s29], $0x1  }
0xbb: {  	[sflag:s29] =	ssyncadd.s32 $0xFFFFFFFF  }
0xbc: {  	_ =	strace $0x90000051  }
0xbd: {  	_ =	sfence  }
0xbe: {  	s30 =	sld [smem:$0x0];
	_ =	sdelay $0x2  }
0xbf: {  	s31 =	sshll.u32 s1, $0xD;
	s1 =	sshrl.u32 s1, $0x2  }
0xc0: {  	s3 =	sand.u32 $0x4000, s31;
	s1 =	sadd.s32 s1, s30  }
0xc1: {  	s0 =	sor.u32 s3, s0;
	s1 =	sshll.u32 s1, $0x11  }
0xc2: {  	s0 =	sor.u32 s1, s0  }
0xc3: {  	s0 =	sadd.s32 $0x8F2B, s0  }
0xc4: {  	[sflag:s0] =	ssyncadd.remote.s32 $0x1  }
0xc5: {  	_ =	sfence.sel $0xFFFF  }
0xc6: {  	[dreg:$0x0] =	wrdreg $0xFFFFFFFF;
	(pc) =	sbr.abs _section_cstart, $3  }
0xc7: {  	[dreg:$0x1] =	wrdreg $0xFFFFFFFF  }
0xc8: {  	_ =	task.clear_ibuf [dreg:s7], $0x2FFFF;
	_ =	strace $0x9FFFFFFF  }
0xc9: {  	(tm) =	ssettm $0x7FFFFFFF  }
tec
execute0_lowered:
.L_overlay_start_1:
0x0: {  	(tag) =	ssettag $0x1  }
0x1: {  	s6 =	rddreg [dreg:$0x0]  }
0x2: {  	s0 =	srdreg.scid;
	s4 =	rddreg [dreg:$0x1]  }
0x3: {  	s9 =	stileid.u32;
	s1 =	rddreg [dreg:$0x2]  }
0x4: {  	s2 =	simm.s32 $0x0;
	s13 =	simm.s32 $0x50;
	s14 =	simm.s32 $0x0  }
0x5: {  	s3 =	sand.u32 $0x1, s0;
	s30 =	sshll.u32 s9, $0x1;
	s0 =	rddreg [dreg:$0x3]  }
0x6: {  	[smem:$0x7FF] =	sst s2;
	p0 =	sne.s32 s9, $0x0;
	s9 =	simm.s32 $0x1  }
0x7: {  	s5 =	sor.u32 s3, s30;
	s31 =	smul.u32 $0x4E2, s3;
	s8 =	ssub.s32 $0x2, s3  }
0x8: {  	_ =	strace $0x80000050;
	s7 =	smul.u32 $0x4E2, s5;
	s11 =	sshrl.u32 s8, $0x1  }
0x9: {  	s3 =	sadd.s32 $0x3E600, s4;
	s12 =	sadd.s32 s31, s4;
	s8 =	ssub.s32 s8, s11  }
0xa: {  	s11 =	simm.s32 $0x4E20;
	s10 =	sadd.s32 s7, s4;
	s6 =	sadd.s32 s6, s7  }
0xb: {  	s7 =	sadd.s32 $0x3EC00, s12;
	s8 =	smax.u32 s8, $0x1;
	s12 =	sshrl.u32 @!p0 s1, $0x3  }
0xc: {  	s4 =	sadd.s32 $0xD600, s10;
	s5 =	sadd.s32 $0x3800, s10;
	s10 =	simm.s32 $0x2710  }
.LBB2_1:
0xd: {  	[tilespmem:s2], [sflag:$0x1] =	stream.linear.gather [hbm4b:s4+s2], $0x2710, $0x38;
	[tilespmem:$0x77A8] =	vst v63  }
0xe: {  	_ =	swait.ge [sflag:s9], $0x2710  }
0xf: {  	[sflag:s9] =	ssyncset.done $0x0  }
0x10: {  	[sflag:s9] =	ssyncadd.s32 $0xFFFFD8F0  }
0x11: {  	[tilespmem:s10], [sflag:$0x1] =	stream.linear.gather [hbm4b:s5+s2], $0x2710, $0x38;
	[tilespmem:$0x77A8] =	vst v63  }
0x12: {  	_ =	swait.ge [sflag:s9], $0x2710  }
0x13: {  	[sflag:s9] =	ssyncset.done $0x0  }
0x14: {  	[sflag:s9] =	ssyncadd.s32 $0xFFFFD8F0  }
0x15: {  	[tilespmem:s11], [sflag:$0x1] =	stream.linear.gather [hbm4b:s6+s2], $0x2710, $0x38;
	[tilespmem:$0x77A8] =	vst v63  }
0x16: {  	_ =	swait.ge [sflag:s9], $0x2710  }
0x17: {  	[sflag:s9] =	ssyncset.done $0x0  }
0x18: {  	s15 =	simm.s32 @!p0 $0x1C01;
	[sflag:s9] =	ssyncadd.s32 $0xFFFFD8F0  }
0x19: {  	[spmem:s12], [sflag:s15] =	dma.local @!p0 [hbm:s3], $0x4E2  }
0x1a: {  	s15 =	simm.s32 @!p0 $0x1  }
0x1b: {  	_ =	swait.ge @!p0 [sflag:s15], $0x4E2  }
0x1c: {  	[sflag:s15] =	ssyncset.done @!p0 $0x0  }
0x1d: {  	[sflag:s15] =	ssyncadd.s32 @!p0 $0xFFFFFB1E  }
0x1e: {  	s30 =	simm.s32 $0x0;
	s16 =	simm.s32 $0x4E20;
	[bflag:$0x0] =	sbarrier.arrive $0xFFFF  }
0x1f: {  	[spmem:s1] =	stream.indirect.scatter.add.f32 [tilespmem:s16], [sflag:$0x1], $0x1, s30, s13, $0xb8;
	[tilespmem:$0x77A8] =	vst v63  }
0x20: {  	_ =	swait.ge [sflag:s9], $0x50  }
0x21: {  	[sflag:s9] =	ssyncset.done $0x0  }
0x22: {  	s31 =	simm.s32 $0x2710;
	[sflag:s9] =	ssyncadd.s32 $0xFFFFFFB0  }
0x23: {  	[spmem:s1] =	stream.indirect.scatter.add.f32 [tilespmem:s16], [sflag:$0x1], $0x1, s31, s13, $0xb8;
	[tilespmem:$0x77A8] =	vst v63  }
0x24: {  	_ =	swait.ge [sflag:s9], $0x50  }
0x25: {  	s15 =	simm.s32 $0x50;
	s16 =	simm.s32 $0x280;
	[sflag:s9] =	ssyncset.done $0x0  }
.LBB2_2:
0x26: {  	s17 =	sadd.s32 $0x4E20, s15  }
0x27: {  	[sflag:s9] =	ssyncadd.s32 $0xFFFFFFB0;
	s18 =	smov.u32 s16;
	s19 =	sadd.s32 $0x140, s16  }
0x28: {  	[spmem:s1] =	stream.indirect.scatter.add.f32 [tilespmem:s17], [sflag:$0x1], $0x1, s15, s13, $0xb8;
	[tilespmem:$0x77A8] =	vst v63  }
0x29: {  	p1 =	sne.s32 s16, $0x9B00;
	_ =	swait.ge [sflag:s9], $0x50  }
.Ltmp0:
0x2a: {  	[sflag:s9] =	ssyncset.done $0x0;
	(pc) =	sbr.rel @p1 .LBB2_2-.Ltmp0, $4  }
0x2b: {  	s15 =	sadd.s32 $0x2710, s15;
	[sflag:s9] =	ssyncadd.s32 $0xFFFFFFB0  }
0x2c: {  	[spmem:s1] =	stream.indirect.scatter.add.f32 [tilespmem:s17], [sflag:$0x1], $0x1, s15, s13, $0xb8;
	[tilespmem:$0x77A8] =	vst v63  }
0x2d: {  	_ =	swait.ge [sflag:s9], $0x50  }
0x2e: {  	s16 =	smov.u32 s19;
	s15 =	sshra.s32 s18, $0x2;
	[sflag:s9] =	ssyncset.done $0x0  }
0x2f: {  	s16 =	sadd.s32 $0x4E20, s15;
	[sflag:s9] =	ssyncadd.s32 $0xFFFFFFB0  }
0x30: {  	[spmem:s1] =	stream.indirect.scatter.add.f32 [tilespmem:s16], [sflag:$0x1], $0x1, s15, s13, $0xb8;
	[tilespmem:$0x77A8] =	vst v63  }
0x31: {  	_ =	swait.ge [sflag:s9], $0x50  }
0x32: {  	[sflag:s9] =	ssyncset.done $0x0  }
0x33: {  	s31 =	sadd.s32 $0x2710, s15;
	[sflag:s9] =	ssyncadd.s32 $0xFFFFFFB0  }
0x34: {  	[spmem:s1] =	stream.indirect.scatter.add.f32 [tilespmem:s16], [sflag:$0x1], $0x1, s31, s13, $0xb8;
	[tilespmem:$0x77A8] =	vst v63  }
0x35: {  	_ =	swait.ge [sflag:s9], $0x50  }
0x36: {  	[sflag:s9] =	ssyncset.done $0x0  }
0x37: {  	s14 =	sadd.s32 $0x1, s14;
	[sflag:s9] =	ssyncadd.s32 $0xFFFFFFB0  }
0x38: {  	s15 =	simm.s32 @!p0 $0x1C01;
	p1 =	sne.s32 s14, s8;
	[bflag:$0x0] =	sbarrier.arrive $0xFFFF  }
0x39: {  	[hbm:s7], [sflag:s15] =	dma.local @!p0 [spmem:s12], $0x4E2  }
.Ltmp1:
0x3a: {  	_ = 	snop;
	(pc) =	sbr.rel @p1 .LBB2_1-.Ltmp1, $4  }
0x3b: {  	s15 =	simm.s32 @!p0 $0x1  }
0x3c: {  	_ =	swait.ge @!p0 [sflag:s15], $0x4E2  }
0x3d: {  	[sflag:s15] =	ssyncset.done @!p0 $0x0  }
0x3e: {  	[sflag:s15] =	ssyncadd.s32 @!p0 $0xFFFFFB1E  }
0x3f: {  	_ =	sfence.sel $0x180000  }
0x40: {  	[bflag:$0x0] =	sbarrier.arrive $0xFFFF  }
0x41: {  	_ =	strace $0x90000050  }
0x42: {  	s0 =	sadd.s32 @!p0 $0x100000, s0;
	[bflag:$0x2] =	sbarrier.arrive $0xFFFF  }
0x43: {  	[sflag:s0] =	ssyncadd.tile.s32 @!p0 $0x1;
	_ =	shalt  }
.Lfunc_end2:
_tile_overlayer_lowered:
.L_overlay_start_2:
0x44: {  	(tag) =	ssettag $0x2  }
0x45: {  	s0 =	rddreg [dreg:$0x0];
	s2 =	stileid.u32  }
0x46: {  	s1 =	rddreg [dreg:$0x1];
	p0 =	sne.s32 s2, $0x0  }
0x47: {  	s3 =	rddreg [dreg:$0x2];
	[bflag:$0x3] =	sbarrier.arrive $0xFFFF;
	s2 =	simm.s32 @!p0 $0x1C01  }
0x48: {  	[timem:s3], [sflag:s2] =	dma.local @!p0 [hbm:s0], s1  }
0x49: {  	s0 =	simm.s32 @!p0 $0x1  }
0x4a: {  	_ =	swait.ge @!p0 [sflag:s0], s1  }
0x4b: {  	s1 =	ssub.s32 @!p0 $0x0, s1;
	[sflag:s0] =	ssyncset.done @!p0 $0x0  }
0x4c: {  	[sflag:s0] =	ssyncadd.s32 @!p0 s1  }
0x4d: {  	[bflag:$0x3] =	sbarrier.arrive $0xFFFF  }
0x4e: {  	_ =	shalt  }

</sc_bundles>
